<compile_context>
chip_gen: v7x
topology: tpu7x:2x2x1
jax: 0.10.2.dev20260603
libtpu: 0.0.44.dev20260713+nightly
codegen_flags: <defaults>
</compile_context>

<pallas_src>
import jax
import jax.numpy as jnp
from jax import lax
from jax.experimental import pallas as pl
from jax.experimental.pallas import tpu as pltpu
from jax.experimental.pallas import tpu_sc as plsc

HIDDEN = 1024
INTER = 2048
NE = 8
T = 4096

NC = 2
NS = 16
NW = NC * NS
TPW = T // NW
CHUNK = 64
NCHUNK = TPW // CHUNK

SUB = 256
TP = T + NE * SUB
NT = TP // SUB


def _router_body(x_ref, rw_ref, pos_ref, w16_ref, meta_ref):
    x = x_ref[...]
    rw = rw_ref[...]
    logits = lax.dot_general(x, rw, (((1,), (1,)), ((), ())),
                             preferred_element_type=jnp.float32)
    v1 = jnp.max(logits, axis=1, keepdims=True)
    eq = (logits == v1).astype(jnp.float32)
    r8 = lax.broadcasted_iota(jnp.int32, (NE, NE), 0)
    c8 = lax.broadcasted_iota(jnp.int32, (NE, NE), 1)
    tri_incl = (r8 <= c8).astype(jnp.float32)
    cum = lax.dot_general(eq, tri_incl, (((1,), (0,)), ((), ())),
                          preferred_element_type=jnp.float32)
    one_hot = eq * (cum == 1.0).astype(jnp.float32)

    neg_inf = jnp.float32(-jnp.inf)
    v2 = jnp.max(jnp.where(one_hot > 0.0, neg_inf, logits), axis=1,
                 keepdims=True)
    w = 1.0 / (1.0 + jnp.exp(v2 - v1))

    counts = jnp.sum(one_hot, axis=0, keepdims=True)
    padded = jnp.ceil(counts * (1.0 / SUB)) * float(SUB)
    r16 = lax.broadcasted_iota(jnp.int32, (NE, 16), 0)
    c16 = lax.broadcasted_iota(jnp.int32, (NE, 16), 1)
    tri16 = (r16 < c16).astype(jnp.float32)
    padded_col = padded.reshape(NE, 1)
    offs16 = jnp.sum(padded_col * tri16, axis=0, keepdims=True)

    CH = 256
    rr = lax.broadcasted_iota(jnp.int32, (CH, CH), 0)
    cc = lax.broadcasted_iota(jnp.int32, (CH, CH), 1)
    ltri = (cc < rr).astype(jnp.float32)
    ranks = []
    carry = jnp.zeros((1, NE), jnp.float32)
    for k in range(T // CH):
        oh = lax.slice(one_hot, (k * CH, 0), ((k + 1) * CH, NE))
        rk = lax.dot_general(ltri, oh, (((1,), (0,)), ((), ())),
                             preferred_element_type=jnp.float32) + carry
        ranks.append(rk)
        carry = carry + jnp.sum(oh, axis=0, keepdims=True)
    rank = jnp.concatenate(ranks, axis=0)

    offs8 = lax.slice(offs16, (0, 0), (1, NE))
    pos_f = jnp.sum(one_hot * (rank + offs8), axis=1, keepdims=True)
    pos_ref[...] = pos_f.astype(jnp.int32).reshape(T)
    w16_ref[...] = jnp.broadcast_to(w, (T, 128))

    ge8 = (r8 >= c8).astype(jnp.float32)
    padded_row8 = jnp.broadcast_to(padded, (NE, NE))
    ends_col = jnp.sum(padded_row8 * ge8, axis=1, keepdims=True)
    ts = (lax.broadcasted_iota(jnp.int32, (1, 32), 1)
          * SUB).astype(jnp.float32)
    eid_raw = jnp.sum((ends_col <= ts).astype(jnp.float32), axis=0,
                      keepdims=True)
    total_pad = jnp.sum(padded, axis=1, keepdims=True)
    skip = (ts >= total_pad).astype(jnp.float32)
    last_eid = jnp.sum((ends_col <= total_pad - SUB).astype(jnp.float32),
                       axis=0, keepdims=True)
    eid = jnp.minimum(eid_raw, last_eid)

    def shift_right_lanes(a, n, fill):
        pad = jnp.full((1, n), fill, jnp.float32)
        return jnp.concatenate([pad, lax.slice(a, (0, 0), (1, 32 - n))],
                               axis=1)

    def shift_left_lanes(a, n, fill):
        pad = jnp.full((1, n), fill, jnp.float32)
        return jnp.concatenate([lax.slice(a, (0, n), (1, 32)), pad],
                               axis=1)

    prev_eid = shift_right_lanes(eid, 1, -1.0)
    newflag = (eid != prev_eid).astype(jnp.float32)
    cum = newflag
    for sh in (1, 2, 4, 8, 16):
        cum = cum + shift_right_lanes(cum, sh, 0.0)
    rankd = cum - 1.0
    dpar = rankd - 2.0 * jnp.floor(rankd * 0.5)
    BIG = 99.0
    chg = jnp.where(newflag > 0.0, eid, BIG)
    nxt = shift_left_lanes(chg, 1, BIG)
    for sh in (1, 2, 4, 8, 16):
        nxt = jnp.minimum(nxt, shift_left_lanes(nxt, sh, BIG))
    meta = jnp.concatenate([eid, newflag, dpar, nxt, skip], axis=0)
    meta_ref[...] = meta.astype(jnp.int32)


def _router_call(xf, router_w):
    return pl.pallas_call(
        _router_body,
        out_shape=[
            jax.ShapeDtypeStruct((T,), jnp.int32),
            jax.ShapeDtypeStruct((T, 128), jnp.float32),
            jax.ShapeDtypeStruct((5, 32), jnp.int32),
        ],
    )(xf, router_w)


def _dispatch_body(x_hbm, w16_hbm, pos_hbm, xs_hbm, ws_hbm,
                   idx_v, xrows_v, wrows_v, sem):
    wid = lax.axis_index("s") * NC + lax.axis_index("c")
    base0 = wid * TPW
    for c in range(NCHUNK):
        base = base0 + c * CHUNK
        ld = [
            pltpu.make_async_copy(pos_hbm.at[pl.ds(base, CHUNK)], idx_v, sem),
            pltpu.make_async_copy(x_hbm.at[pl.ds(base, CHUNK)], xrows_v, sem),
            pltpu.make_async_copy(w16_hbm.at[pl.ds(base, CHUNK)], wrows_v,
                                  sem),
        ]
        for cp in ld:
            cp.start()
        for cp in ld:
            cp.wait()
        st = [
            pltpu.make_async_copy(xrows_v, xs_hbm.at[idx_v], sem),
            pltpu.make_async_copy(wrows_v, ws_hbm.at[idx_v], sem),
        ]
        for cp in st:
            cp.start()
        for cp in st:
            cp.wait()


def _dispatch_call(xf, w16, pos1):
    mesh = plsc.VectorSubcoreMesh(core_axis_name="c", subcore_axis_name="s")
    f = pl.kernel(
        _dispatch_body,
        out_type=[
            jax.ShapeDtypeStruct((TP, HIDDEN), jnp.float32),
            jax.ShapeDtypeStruct((TP, 128), jnp.float32),
        ],
        mesh=mesh,
        scratch_types=[
            pltpu.VMEM((CHUNK,), jnp.int32),
            pltpu.VMEM((CHUNK, HIDDEN), jnp.float32),
            pltpu.VMEM((CHUNK, 128), jnp.float32),
            pltpu.SemaphoreType.DMA,
        ],
    )
    return f(xf, w16, pos1)


def _ffn_body(meta_ref, x_ref, ws_ref, gate_hbm, up_hbm, down_hbm, out_ref,
              g0, u0, d0, g1, u1, d1, sem0, sem1):
    m = pl.program_id(0)
    eid = meta_ref[0, m]
    newf = meta_ref[1, m]
    dpar = meta_ref[2, m]
    nxt = meta_ref[3, m]
    skip = meta_ref[4, m]

    HI = INTER // 2
    HH = HIDDEN // 2

    def copies(e, gb, ub, db, sem):
        return [
            pltpu.make_async_copy(gate_hbm.at[e, pl.ds(0, HI)],
                                  gb.at[pl.ds(0, HI)], sem),
            pltpu.make_async_copy(gate_hbm.at[e, pl.ds(HI, HI)],
                                  gb.at[pl.ds(HI, HI)], sem),
            pltpu.make_async_copy(up_hbm.at[e, pl.ds(0, HI)],
                                  ub.at[pl.ds(0, HI)], sem),
            pltpu.make_async_copy(up_hbm.at[e, pl.ds(HI, HI)],
                                  ub.at[pl.ds(HI, HI)], sem),
            pltpu.make_async_copy(down_hbm.at[e, pl.ds(0, HH)],
                                  db.at[pl.ds(0, HH)], sem),
            pltpu.make_async_copy(down_hbm.at[e, pl.ds(HH, HH)],
                                  db.at[pl.ds(HH, HH)], sem),
        ]

    def issue(e, gb, ub, db, sem):
        for c in copies(e, gb, ub, db, sem):
            c.start()

    def wait(e, gb, ub, db, sem):
        for c in copies(e, gb, ub, db, sem):
            c.wait()

    @pl.when(m == 0)
    def _():
        issue(eid, g0, u0, d0, sem0)

    @pl.when(jnp.logical_and(newf == 1, dpar == 0))
    def _():
        wait(eid, g0, u0, d0, sem0)

        @pl.when(nxt < NE)
        def _():
            issue(nxt, g1, u1, d1, sem1)

    @pl.when(jnp.logical_and(newf == 1, dpar == 1))
    def _():
        wait(eid, g1, u1, d1, sem1)

        @pl.when(nxt < NE)
        def _():
            issue(nxt, g0, u0, d0, sem0)

    def tile(gb, ub, db):
        x = x_ref[...]
        g = lax.dot_general(x, gb[...], (((1,), (1,)), ((), ())),
                            preferred_element_type=jnp.float32)
        u = lax.dot_general(x, ub[...], (((1,), (1,)), ((), ())),
                            preferred_element_type=jnp.float32)
        a = g * (1.0 / (1.0 + jnp.exp(-g))) * u
        y = lax.dot_general(a, db[...], (((1,), (1,)), ((), ())),
                            preferred_element_type=jnp.float32)
        out_ref[...] = y * ws_ref[:, 0:1]

    @pl.when(jnp.logical_and(skip == 0, dpar == 0))
    def _():
        tile(g0, u0, d0)

    @pl.when(jnp.logical_and(skip == 0, dpar == 1))
    def _():
        tile(g1, u1, d1)


def _ffn_call(meta, xs, ws, gate_w, up_w, down_w):
    grid_spec = pltpu.PrefetchScalarGridSpec(
        num_scalar_prefetch=1,
        grid=(NT,),
        in_specs=[
            pl.BlockSpec((SUB, HIDDEN), lambda m, meta: (m, 0)),
            pl.BlockSpec((SUB, 128), lambda m, meta: (m, 0)),
            pl.BlockSpec(memory_space=pl.ANY),
            pl.BlockSpec(memory_space=pl.ANY),
            pl.BlockSpec(memory_space=pl.ANY),
        ],
        out_specs=pl.BlockSpec((SUB, HIDDEN), lambda m, meta: (m, 0)),
        scratch_shapes=[
            pltpu.VMEM((INTER, HIDDEN), jnp.float32),
            pltpu.VMEM((INTER, HIDDEN), jnp.float32),
            pltpu.VMEM((HIDDEN, INTER), jnp.float32),
            pltpu.VMEM((INTER, HIDDEN), jnp.float32),
            pltpu.VMEM((INTER, HIDDEN), jnp.float32),
            pltpu.VMEM((HIDDEN, INTER), jnp.float32),
            pltpu.SemaphoreType.DMA,
            pltpu.SemaphoreType.DMA,
        ],
    )
    return pl.pallas_call(
        _ffn_body,
        grid_spec=grid_spec,
        out_shape=jax.ShapeDtypeStruct((TP, HIDDEN), jnp.float32),
        compiler_params=pltpu.CompilerParams(
            dimension_semantics=("arbitrary",),
            vmem_limit_bytes=63 * 1024 * 1024,
        ),
    )(meta, xs, ws, gate_w, up_w, down_w)


def _combine_body(ys_hbm, pos_hbm, out_hbm, idx_v, rows_v):
    wid = lax.axis_index("s") * NC + lax.axis_index("c")
    base0 = wid * TPW
    for c in range(NCHUNK):
        base = base0 + c * CHUNK
        pltpu.sync_copy(pos_hbm.at[pl.ds(base, CHUNK)], idx_v)
        pltpu.sync_copy(ys_hbm.at[idx_v], rows_v)
        pltpu.sync_copy(rows_v, out_hbm.at[pl.ds(base, CHUNK)])


def _combine_call(ys, pos1):
    mesh = plsc.VectorSubcoreMesh(core_axis_name="c", subcore_axis_name="s")
    f = pl.kernel(
        _combine_body,
        out_type=jax.ShapeDtypeStruct((T, HIDDEN), jnp.float32),
        mesh=mesh,
        scratch_types=[
            pltpu.VMEM((CHUNK,), jnp.int32),
            pltpu.VMEM((CHUNK, HIDDEN), jnp.float32),
        ],
    )
    return f(ys, pos1)


def kernel(hidden_states, router_w, gate_w, up_w, down_w):
    bsz, seq, h = hidden_states.shape
    xf = hidden_states.reshape(T, h)
    pos1, w16, meta = _router_call(xf, router_w)
    xs, ws = _dispatch_call(xf, w16, pos1)
    ys = _ffn_call(meta, xs, ws, gate_w, up_w, down_w)
    out = _combine_call(ys, pos1)
    return out.reshape(bsz, seq, h)

# --- scband reference (transcript-rebuilt; emitter-appended) ---
"""Pipeline reference for scband-simple-mo-elayer-21947282883176 (READ-ONLY COPY).

The authoritative reference and input builder live on the scoring server;
editing this copy changes nothing except your own understanding.
"""

import jax, jax.numpy as jnp
import numpy as np

HIDDEN = 1024
INTER = 2048
E = 8
TOP_K = 2
B = 2
S = 2048


def setup_inputs(seed: int = 0) -> dict:
    key = jax.random.key(seed)
    k1, k2, k3, k4, k5 = jax.random.split(key, 5)
    scale = np.sqrt(2.0 / (HIDDEN + INTER)).astype(np.float32)
    hidden_states = jax.random.normal(k1, (B, S, HIDDEN), dtype=jnp.float32)
    router_w = jax.random.normal(k2, (E, HIDDEN), dtype=jnp.float32) * np.sqrt(1.0 / HIDDEN)
    gate_w = jax.random.normal(k3, (E, INTER, HIDDEN), dtype=jnp.float32) * scale
    up_w = jax.random.normal(k4, (E, INTER, HIDDEN), dtype=jnp.float32) * scale
    down_w = jax.random.normal(k5, (E, HIDDEN, INTER), dtype=jnp.float32) * scale
    return {"hidden_states": hidden_states, "router_w": router_w, "gate_w": gate_w, "up_w": up_w, "down_w": down_w}


def reference(hidden_states, router_w, gate_w, up_w, down_w):
    # Full MoE pipeline: route_tokens -> per-expert SiLU-gated FFN -> reconstruct_output.
    # Faithful to the torch module: top_k logits are softmaxed, but only the
    # top-1 expert / top-1 weight are actually used for dispatch and combine,
    # and reconstruct_output uses overwrite (set), not accumulate.
    bsz, seq, h = hidden_states.shape
    xf = hidden_states.reshape(-1, h)
    logits = xf @ router_w.T  # [T, E]
    top_vals, top_idx = jax.lax.top_k(logits, TOP_K)
    routing_weights = jax.nn.softmax(top_vals, axis=-1)
    top_expert = top_idx[:, 0]
    token_weights = routing_weights[:, 0]
    out = jnp.zeros_like(xf)
    num_experts = gate_w.shape[0]
    for e in range(num_experts):
        g = xf @ gate_w[e].T
        u = xf @ up_w[e].T
        act = g * jax.nn.sigmoid(g)  # SiLU as in module
        ye = (act * u) @ down_w[e].T
        mask = (top_expert == e)[:, None]
        out = jnp.where(mask, ye * token_weights[:, None], out)
    return out.reshape(bsz, seq, h)

if __name__ == "__main__":
    import jax
    _d = setup_inputs()
    print(jax.jit(kernel)(*tuple(_d.values())))

</pallas_src>

<mosaic_0001>
#map = affine_map<(d0, d1) -> (0, 0)>
#map1 = affine_map<(d0, d1) -> (0)>
module attributes {stable_mosaic.version = 14 : i64} {
  func.func @_combine_body(%arg0: i32, %arg1: i32, %arg2: memref<6144x1024xf32, #tpu.memory_space<hbm>>, %arg3: memref<4096xi32, #tpu.memory_space<hbm>>, %arg4: memref<4096x1024xf32, #tpu.memory_space<hbm>>, %arg5: memref<64xi32, #tpu.memory_space<vmem>>, %arg6: memref<64x1024xf32, #tpu.memory_space<vmem>>) attributes {dimension_semantics = [#tpu.dimension_semantics<core_parallel>, #tpu.dimension_semantics<subcore_parallel>], iteration_bounds = array<i64: 2, 16>, scalar_prefetch = 0 : i64, scratch_operands = 2 : i64, tpu.core_type = #tpu.core_type<sc_vector_subcore>, window_params = [{transform_indices = #map}, {transform_indices = #map1}, {transform_indices = #map}]} {
    %mul3A = arith.constant 2 : i32
    %mul3A_0 = arith.muli %arg1, %mul3A : i32
    %add3A = arith.addi %mul3A_0, %arg0 : i32
    %mul3A_1 = arith.constant 128 : i32
    %mul3A_2 = arith.muli %add3A, %mul3A_1 : i32
    %add3A_3 = arith.constant 0 : i32
    %add3A_4 = arith.addi %mul3A_2, %add3A_3 : i32
    "tpu.region"() ({
      %run_scoped3A = tpu.sem_alloc : memref<!tpu.dma_semaphore, #tpu.memory_space<semaphore_mem>>
      %dma_start3A = tpu.memref_slice %arg3[%add3A_4] : memref<4096xi32, #tpu.memory_space<hbm>> -> memref<64xi32, #tpu.memory_space<hbm>>
      %dma_start3A_7 = tpu.memref_slice %arg3[%add3A_4] : memref<4096xi32, #tpu.memory_space<hbm>> -> memref<64xi32, #tpu.memory_space<hbm>>
      tpu.enqueue_dma source(%dma_start3A_7 : memref<64xi32, #tpu.memory_space<hbm>>) target(%arg5 : memref<64xi32, #tpu.memory_space<vmem>>) target_semaphore(%run_scoped3A : memref<!tpu.dma_semaphore, #tpu.memory_space<semaphore_mem>>)
      %dma_wait3A = tpu.memref_slice %arg3[%add3A_4] : memref<4096xi32, #tpu.memory_space<hbm>> -> memref<64xi32, #tpu.memory_space<hbm>>
      %dma_wait3A_8 = tpu.memref_slice %arg3[%add3A_4] : memref<4096xi32, #tpu.memory_space<hbm>> -> memref<64xi32, #tpu.memory_space<hbm>>
      tpu.wait_dma2 semaphore(%run_scoped3A : memref<!tpu.dma_semaphore, #tpu.memory_space<semaphore_mem>>) src(%dma_wait3A_8 : memref<64xi32, #tpu.memory_space<hbm>>) dst(%arg5 : memref<64xi32, #tpu.memory_space<vmem>>)
      tpu.yield
    }) : () -> ()
    "tpu.region"() ({
      %run_scoped3A = tpu.sem_alloc : memref<!tpu.dma_semaphore, #tpu.memory_space<semaphore_mem>>
      %dma_start3A = arith.constant 0 : i32
      %dma_start3A_7 = arith.constant 0 : i32
      %dma_start3A_8 = tpu.memref_slice %arg2[%dma_start3A, %dma_start3A_7] : memref<6144x1024xf32, #tpu.memory_space<hbm>> -> memref<6144x1024xf32, #tpu.memory_space<hbm>>
      tpu.enqueue_indirect_dma source(%dma_start3A_8 : memref<6144x1024xf32, #tpu.memory_space<hbm>>) target(%arg6 : memref<64x1024xf32, #tpu.memory_space<vmem>>) offsets(%arg5 : memref<64xi32, #tpu.memory_space<vmem>>) semaphore(%run_scoped3A : memref<!tpu.dma_semaphore, #tpu.memory_space<semaphore_mem>>)
      %dma_wait3A = arith.constant 0 : i32
      %dma_wait3A_9 = arith.constant 0 : i32
      %dma_wait3A_10 = tpu.memref_slice %arg2[%dma_wait3A, %dma_wait3A_9] : memref<6144x1024xf32, #tpu.memory_space<hbm>> -> memref<6144x1024xf32, #tpu.memory_space<hbm>>
      tpu.wait_indirect_dma semaphore(%run_scoped3A : memref<!tpu.dma_semaphore, #tpu.memory_space<semaphore_mem>>) src(%dma_wait3A_10 : memref<6144x1024xf32, #tpu.memory_space<hbm>>) dst(%arg6 : memref<64x1024xf32, #tpu.memory_space<vmem>>)
      tpu.yield
    }) : () -> ()
    "tpu.region"() ({
      %run_scoped3A = tpu.sem_alloc : memref<!tpu.dma_semaphore, #tpu.memory_space<semaphore_mem>>
      %dma_start3A = arith.constant 0 : i32
      %dma_start3A_7 = tpu.memref_slice %arg4[%add3A_4, %dma_start3A] : memref<4096x1024xf32, #tpu.memory_space<hbm>> -> memref<64x1024xf32, #tpu.memory_space<hbm>>
      %dma_start3A_8 = arith.constant 0 : i32
      %dma_start3A_9 = tpu.memref_slice %arg4[%add3A_4, %dma_start3A_8] : memref<4096x1024xf32, #tpu.memory_space<hbm>> -> memref<64x1024xf32, #tpu.memory_space<hbm>>
      tpu.enqueue_dma source(%arg6 : memref<64x1024xf32, #tpu.memory_space<vmem>>) target(%dma_start3A_9 : memref<64x1024xf32, #tpu.memory_space<hbm>>) target_semaphore(%run_scoped3A : memref<!tpu.dma_semaphore, #tpu.memory_space<semaphore_mem>>)
      %dma_wait3A = arith.constant 0 : i32
      %dma_wait3A_10 = tpu.memref_slice %arg4[%add3A_4, %dma_wait3A] : memref<4096x1024xf32, #tpu.memory_space<hbm>> -> memref<64x1024xf32, #tpu.memory_space<hbm>>
      %dma_wait3A_11 = arith.constant 0 : i32
      %dma_wait3A_12 = tpu.memref_slice %arg4[%add3A_4, %dma_wait3A_11] : memref<4096x1024xf32, #tpu.memory_space<hbm>> -> memref<64x1024xf32, #tpu.memory_space<hbm>>
      tpu.wait_dma2 semaphore(%run_scoped3A : memref<!tpu.dma_semaphore, #tpu.memory_space<semaphore_mem>>) src(%arg6 : memref<64x1024xf32, #tpu.memory_space<vmem>>) dst(%dma_wait3A_12 : memref<64x1024xf32, #tpu.memory_space<hbm>>)
      tpu.yield
    }) : () -> ()
    %add3A_5 = arith.constant 64 : i32
    %add3A_6 = arith.addi %mul3A_2, %add3A_5 : i32
    "tpu.region"() ({
      %run_scoped3A = tpu.sem_alloc : memref<!tpu.dma_semaphore, #tpu.memory_space<semaphore_mem>>
      %dma_start3A = tpu.memref_slice %arg3[%add3A_6] : memref<4096xi32, #tpu.memory_space<hbm>> -> memref<64xi32, #tpu.memory_space<hbm>>
      %dma_start3A_7 = tpu.memref_slice %arg3[%add3A_6] : memref<4096xi32, #tpu.memory_space<hbm>> -> memref<64xi32, #tpu.memory_space<hbm>>
      tpu.enqueue_dma source(%dma_start3A_7 : memref<64xi32, #tpu.memory_space<hbm>>) target(%arg5 : memref<64xi32, #tpu.memory_space<vmem>>) target_semaphore(%run_scoped3A : memref<!tpu.dma_semaphore, #tpu.memory_space<semaphore_mem>>)
      %dma_wait3A = tpu.memref_slice %arg3[%add3A_6] : memref<4096xi32, #tpu.memory_space<hbm>> -> memref<64xi32, #tpu.memory_space<hbm>>
      %dma_wait3A_8 = tpu.memref_slice %arg3[%add3A_6] : memref<4096xi32, #tpu.memory_space<hbm>> -> memref<64xi32, #tpu.memory_space<hbm>>
      tpu.wait_dma2 semaphore(%run_scoped3A : memref<!tpu.dma_semaphore, #tpu.memory_space<semaphore_mem>>) src(%dma_wait3A_8 : memref<64xi32, #tpu.memory_space<hbm>>) dst(%arg5 : memref<64xi32, #tpu.memory_space<vmem>>)
      tpu.yield
    }) : () -> ()
    "tpu.region"() ({
      %run_scoped3A = tpu.sem_alloc : memref<!tpu.dma_semaphore, #tpu.memory_space<semaphore_mem>>
      %dma_start3A = arith.constant 0 : i32
      %dma_start3A_7 = arith.constant 0 : i32
      %dma_start3A_8 = tpu.memref_slice %arg2[%dma_start3A, %dma_start3A_7] : memref<6144x1024xf32, #tpu.memory_space<hbm>> -> memref<6144x1024xf32, #tpu.memory_space<hbm>>
      tpu.enqueue_indirect_dma source(%dma_start3A_8 : memref<6144x1024xf32, #tpu.memory_space<hbm>>) target(%arg6 : memref<64x1024xf32, #tpu.memory_space<vmem>>) offsets(%arg5 : memref<64xi32, #tpu.memory_space<vmem>>) semaphore(%run_scoped3A : memref<!tpu.dma_semaphore, #tpu.memory_space<semaphore_mem>>)
      %dma_wait3A = arith.constant 0 : i32
      %dma_wait3A_9 = arith.constant 0 : i32
      %dma_wait3A_10 = tpu.memref_slice %arg2[%dma_wait3A, %dma_wait3A_9] : memref<6144x1024xf32, #tpu.memory_space<hbm>> -> memref<6144x1024xf32, #tpu.memory_space<hbm>>
      tpu.wait_indirect_dma semaphore(%run_scoped3A : memref<!tpu.dma_semaphore, #tpu.memory_space<semaphore_mem>>) src(%dma_wait3A_10 : memref<6144x1024xf32, #tpu.memory_space<hbm>>) dst(%arg6 : memref<64x1024xf32, #tpu.memory_space<vmem>>)
      tpu.yield
    }) : () -> ()
    "tpu.region"() ({
      %run_scoped3A = tpu.sem_alloc : memref<!tpu.dma_semaphore, #tpu.memory_space<semaphore_mem>>
      %dma_start3A = arith.constant 0 : i32
      %dma_start3A_7 = tpu.memref_slice %arg4[%add3A_6, %dma_start3A] : memref<4096x1024xf32, #tpu.memory_space<hbm>> -> memref<64x1024xf32, #tpu.memory_space<hbm>>
      %dma_start3A_8 = arith.constant 0 : i32
      %dma_start3A_9 = tpu.memref_slice %arg4[%add3A_6, %dma_start3A_8] : memref<4096x1024xf32, #tpu.memory_space<hbm>> -> memref<64x1024xf32, #tpu.memory_space<hbm>>
      tpu.enqueue_dma source(%arg6 : memref<64x1024xf32, #tpu.memory_space<vmem>>) target(%dma_start3A_9 : memref<64x1024xf32, #tpu.memory_space<hbm>>) target_semaphore(%run_scoped3A : memref<!tpu.dma_semaphore, #tpu.memory_space<semaphore_mem>>)
      %dma_wait3A = arith.constant 0 : i32
      %dma_wait3A_10 = tpu.memref_slice %arg4[%add3A_6, %dma_wait3A] : memref<4096x1024xf32, #tpu.memory_space<hbm>> -> memref<64x1024xf32, #tpu.memory_space<hbm>>
      %dma_wait3A_11 = arith.constant 0 : i32
      %dma_wait3A_12 = tpu.memref_slice %arg4[%add3A_6, %dma_wait3A_11] : memref<4096x1024xf32, #tpu.memory_space<hbm>> -> memref<64x1024xf32, #tpu.memory_space<hbm>>
      tpu.wait_dma2 semaphore(%run_scoped3A : memref<!tpu.dma_semaphore, #tpu.memory_space<semaphore_mem>>) src(%arg6 : memref<64x1024xf32, #tpu.memory_space<vmem>>) dst(%dma_wait3A_12 : memref<64x1024xf32, #tpu.memory_space<hbm>>)
      tpu.yield
    }) : () -> ()
    return
  }
}

#map = affine_map<(d0, d1) -> (0, 0)>
#map1 = affine_map<(d0, d1) -> (0)>
module attributes {stable_mosaic.version = 14 : i64} {
  func.func @_dispatch_body(%arg0: i32, %arg1: i32, %arg2: memref<4096x1024xf32, #tpu.memory_space<hbm>>, %arg3: memref<4096x128xf32, #tpu.memory_space<hbm>>, %arg4: memref<4096xi32, #tpu.memory_space<hbm>>, %arg5: memref<6144x1024xf32, #tpu.memory_space<hbm>>, %arg6: memref<6144x128xf32, #tpu.memory_space<hbm>>, %arg7: memref<64xi32, #tpu.memory_space<vmem>>, %arg8: memref<64x1024xf32, #tpu.memory_space<vmem>>, %arg9: memref<64x128xf32, #tpu.memory_space<vmem>>, %arg10: memref<!tpu.dma_semaphore, #tpu.memory_space<semaphore_mem>>) attributes {dimension_semantics = [#tpu.dimension_semantics<core_parallel>, #tpu.dimension_semantics<subcore_parallel>], iteration_bounds = array<i64: 2, 16>, scalar_prefetch = 0 : i64, scratch_operands = 4 : i64, tpu.core_type = #tpu.core_type<sc_vector_subcore>, window_params = [{transform_indices = #map}, {transform_indices = #map}, {transform_indices = #map1}, {transform_indices = #map}, {transform_indices = #map}]} {
    %mul3A = arith.constant 2 : i32
    %mul3A_0 = arith.muli %arg1, %mul3A : i32
    %add3A = arith.addi %mul3A_0, %arg0 : i32
    %mul3A_1 = arith.constant 128 : i32
    %mul3A_2 = arith.muli %add3A, %mul3A_1 : i32
    %add3A_3 = arith.constant 0 : i32
    %add3A_4 = arith.addi %mul3A_2, %add3A_3 : i32
    %dma_start3A = tpu.memref_slice %arg4[%add3A_4] : memref<4096xi32, #tpu.memory_space<hbm>> -> memref<64xi32, #tpu.memory_space<hbm>>
    %dma_start3A_5 = tpu.memref_slice %arg4[%add3A_4] : memref<4096xi32, #tpu.memory_space<hbm>> -> memref<64xi32, #tpu.memory_space<hbm>>
    tpu.enqueue_dma source(%dma_start3A_5 : memref<64xi32, #tpu.memory_space<hbm>>) target(%arg7 : memref<64xi32, #tpu.memory_space<vmem>>) target_semaphore(%arg10 : memref<!tpu.dma_semaphore, #tpu.memory_space<semaphore_mem>>)
    %dma_start3A_6 = arith.constant 0 : i32
    %dma_start3A_7 = tpu.memref_slice %arg2[%add3A_4, %dma_start3A_6] : memref<4096x1024xf32, #tpu.memory_space<hbm>> -> memref<64x1024xf32, #tpu.memory_space<hbm>>
    %dma_start3A_8 = arith.constant 0 : i32
    %dma_start3A_9 = tpu.memref_slice %arg2[%add3A_4, %dma_start3A_8] : memref<4096x1024xf32, #tpu.memory_space<hbm>> -> memref<64x1024xf32, #tpu.memory_space<hbm>>
    tpu.enqueue_dma source(%dma_start3A_9 : memref<64x1024xf32, #tpu.memory_space<hbm>>) target(%arg8 : memref<64x1024xf32, #tpu.memory_space<vmem>>) target_semaphore(%arg10 : memref<!tpu.dma_semaphore, #tpu.memory_space<semaphore_mem>>)
    %dma_start3A_10 = arith.constant 0 : i32
    %dma_start3A_11 = tpu.memref_slice %arg3[%add3A_4, %dma_start3A_10] : memref<4096x128xf32, #tpu.memory_space<hbm>> -> memref<64x128xf32, #tpu.memory_space<hbm>>
    %dma_start3A_12 = arith.constant 0 : i32
    %dma_start3A_13 = tpu.memref_slice %arg3[%add3A_4, %dma_start3A_12] : memref<4096x128xf32, #tpu.memory_space<hbm>> -> memref<64x128xf32, #tpu.memory_space<hbm>>
    tpu.enqueue_dma source(%dma_start3A_13 : memref<64x128xf32, #tpu.memory_space<hbm>>) target(%arg9 : memref<64x128xf32, #tpu.memory_space<vmem>>) target_semaphore(%arg10 : memref<!tpu.dma_semaphore, #tpu.memory_space<semaphore_mem>>)
    %dma_wait3A = tpu.memref_slice %arg4[%add3A_4] : memref<4096xi32, #tpu.memory_space<hbm>> -> memref<64xi32, #tpu.memory_space<hbm>>
    %dma_wait3A_14 = tpu.memref_slice %arg4[%add3A_4] : memref<4096xi32, #tpu.memory_space<hbm>> -> memref<64xi32, #tpu.memory_space<hbm>>
    tpu.wait_dma2 semaphore(%arg10 : memref<!tpu.dma_semaphore, #tpu.memory_space<semaphore_mem>>) src(%dma_wait3A_14 : memref<64xi32, #tpu.memory_space<hbm>>) dst(%arg7 : memref<64xi32, #tpu.memory_space<vmem>>)
    %dma_wait3A_15 = arith.constant 0 : i32
    %dma_wait3A_16 = tpu.memref_slice %arg2[%add3A_4, %dma_wait3A_15] : memref<4096x1024xf32, #tpu.memory_space<hbm>> -> memref<64x1024xf32, #tpu.memory_space<hbm>>
    %dma_wait3A_17 = arith.constant 0 : i32
    %dma_wait3A_18 = tpu.memref_slice %arg2[%add3A_4, %dma_wait3A_17] : memref<4096x1024xf32, #tpu.memory_space<hbm>> -> memref<64x1024xf32, #tpu.memory_space<hbm>>
    tpu.wait_dma2 semaphore(%arg10 : memref<!tpu.dma_semaphore, #tpu.memory_space<semaphore_mem>>) src(%dma_wait3A_18 : memref<64x1024xf32, #tpu.memory_space<hbm>>) dst(%arg8 : memref<64x1024xf32, #tpu.memory_space<vmem>>)
    %dma_wait3A_19 = arith.constant 0 : i32
    %dma_wait3A_20 = tpu.memref_slice %arg3[%add3A_4, %dma_wait3A_19] : memref<4096x128xf32, #tpu.memory_space<hbm>> -> memref<64x128xf32, #tpu.memory_space<hbm>>
    %dma_wait3A_21 = arith.constant 0 : i32
    %dma_wait3A_22 = tpu.memref_slice %arg3[%add3A_4, %dma_wait3A_21] : memref<4096x128xf32, #tpu.memory_space<hbm>> -> memref<64x128xf32, #tpu.memory_space<hbm>>
    tpu.wait_dma2 semaphore(%arg10 : memref<!tpu.dma_semaphore, #tpu.memory_space<semaphore_mem>>) src(%dma_wait3A_22 : memref<64x128xf32, #tpu.memory_space<hbm>>) dst(%arg9 : memref<64x128xf32, #tpu.memory_space<vmem>>)
    %dma_start3A_23 = arith.constant 0 : i32
    %dma_start3A_24 = arith.constant 0 : i32
    %dma_start3A_25 = tpu.memref_slice %arg5[%dma_start3A_23, %dma_start3A_24] : memref<6144x1024xf32, #tpu.memory_space<hbm>> -> memref<6144x1024xf32, #tpu.memory_space<hbm>>
    tpu.enqueue_indirect_dma source(%arg8 : memref<64x1024xf32, #tpu.memory_space<vmem>>) target(%dma_start3A_25 : memref<6144x1024xf32, #tpu.memory_space<hbm>>) offsets(%arg7 : memref<64xi32, #tpu.memory_space<vmem>>) semaphore(%arg10 : memref<!tpu.dma_semaphore, #tpu.memory_space<semaphore_mem>>)
    %dma_start3A_26 = arith.constant 0 : i32
    %dma_start3A_27 = arith.constant 0 : i32
    %dma_start3A_28 = tpu.memref_slice %arg6[%dma_start3A_26, %dma_start3A_27] : memref<6144x128xf32, #tpu.memory_space<hbm>> -> memref<6144x128xf32, #tpu.memory_space<hbm>>
    tpu.enqueue_indirect_dma source(%arg9 : memref<64x128xf32, #tpu.memory_space<vmem>>) target(%dma_start3A_28 : memref<6144x128xf32, #tpu.memory_space<hbm>>) offsets(%arg7 : memref<64xi32, #tpu.memory_space<vmem>>) semaphore(%arg10 : memref<!tpu.dma_semaphore, #tpu.memory_space<semaphore_mem>>)
    %dma_wait3A_29 = arith.constant 0 : i32
    %dma_wait3A_30 = arith.constant 0 : i32
    %dma_wait3A_31 = tpu.memref_slice %arg5[%dma_wait3A_29, %dma_wait3A_30] : memref<6144x1024xf32, #tpu.memory_space<hbm>> -> memref<6144x1024xf32, #tpu.memory_space<hbm>>
    tpu.wait_indirect_dma semaphore(%arg10 : memref<!tpu.dma_semaphore, #tpu.memory_space<semaphore_mem>>) src(%arg8 : memref<64x1024xf32, #tpu.memory_space<vmem>>) dst(%dma_wait3A_31 : memref<6144x1024xf32, #tpu.memory_space<hbm>>)
    %dma_wait3A_32 = arith.constant 0 : i32
    %dma_wait3A_33 = arith.constant 0 : i32
    %dma_wait3A_34 = tpu.memref_slice %arg6[%dma_wait3A_32, %dma_wait3A_33] : memref<6144x128xf32, #tpu.memory_space<hbm>> -> memref<6144x128xf32, #tpu.memory_space<hbm>>
    tpu.wait_indirect_dma semaphore(%arg10 : memref<!tpu.dma_semaphore, #tpu.memory_space<semaphore_mem>>) src(%arg9 : memref<64x128xf32, #tpu.memory_space<vmem>>) dst(%dma_wait3A_34 : memref<6144x128xf32, #tpu.memory_space<hbm>>)
    %add3A_35 = arith.constant 64 : i32
    %add3A_36 = arith.addi %mul3A_2, %add3A_35 : i32
    %dma_start3A_37 = tpu.memref_slice %arg4[%add3A_36] : memref<4096xi32, #tpu.memory_space<hbm>> -> memref<64xi32, #tpu.memory_space<hbm>>
    %dma_start3A_38 = tpu.memref_slice %arg4[%add3A_36] : memref<4096xi32, #tpu.memory_space<hbm>> -> memref<64xi32, #tpu.memory_space<hbm>>
    tpu.enqueue_dma source(%dma_start3A_38 : memref<64xi32, #tpu.memory_space<hbm>>) target(%arg7 : memref<64xi32, #tpu.memory_space<vmem>>) target_semaphore(%arg10 : memref<!tpu.dma_semaphore, #tpu.memory_space<semaphore_mem>>)
    %dma_start3A_39 = arith.constant 0 : i32
    %dma_start3A_40 = tpu.memref_slice %arg2[%add3A_36, %dma_start3A_39] : memref<4096x1024xf32, #tpu.memory_space<hbm>> -> memref<64x1024xf32, #tpu.memory_space<hbm>>
    %dma_start3A_41 = arith.constant 0 : i32
    %dma_start3A_42 = tpu.memref_slice %arg2[%add3A_36, %dma_start3A_41] : memref<4096x1024xf32, #tpu.memory_space<hbm>> -> memref<64x1024xf32, #tpu.memory_space<hbm>>
    tpu.enqueue_dma source(%dma_start3A_42 : memref<64x1024xf32, #tpu.memory_space<hbm>>) target(%arg8 : memref<64x1024xf32, #tpu.memory_space<vmem>>) target_semaphore(%arg10 : memref<!tpu.dma_semaphore, #tpu.memory_space<semaphore_mem>>)
    %dma_start3A_43 = arith.constant 0 : i32
    %dma_start3A_44 = tpu.memref_slice %arg3[%add3A_36, %dma_start3A_43] : memref<4096x128xf32, #tpu.memory_space<hbm>> -> memref<64x128xf32, #tpu.memory_space<hbm>>
    %dma_start3A_45 = arith.constant 0 : i32
    %dma_start3A_46 = tpu.memref_slice %arg3[%add3A_36, %dma_start3A_45] : memref<4096x128xf32, #tpu.memory_space<hbm>> -> memref<64x128xf32, #tpu.memory_space<hbm>>
    tpu.enqueue_dma source(%dma_start3A_46 : memref<64x128xf32, #tpu.memory_space<hbm>>) target(%arg9 : memref<64x128xf32, #tpu.memory_space<vmem>>) target_semaphore(%arg10 : memref<!tpu.dma_semaphore, #tpu.memory_space<semaphore_mem>>)
    %dma_wait3A_47 = tpu.memref_slice %arg4[%add3A_36] : memref<4096xi32, #tpu.memory_space<hbm>> -> memref<64xi32, #tpu.memory_space<hbm>>
    %dma_wait3A_48 = tpu.memref_slice %arg4[%add3A_36] : memref<4096xi32, #tpu.memory_space<hbm>> -> memref<64xi32, #tpu.memory_space<hbm>>
    tpu.wait_dma2 semaphore(%arg10 : memref<!tpu.dma_semaphore, #tpu.memory_space<semaphore_mem>>) src(%dma_wait3A_48 : memref<64xi32, #tpu.memory_space<hbm>>) dst(%arg7 : memref<64xi32, #tpu.memory_space<vmem>>)
    %dma_wait3A_49 = arith.constant 0 : i32
    %dma_wait3A_50 = tpu.memref_slice %arg2[%add3A_36, %dma_wait3A_49] : memref<4096x1024xf32, #tpu.memory_space<hbm>> -> memref<64x1024xf32, #tpu.memory_space<hbm>>
    %dma_wait3A_51 = arith.constant 0 : i32
    %dma_wait3A_52 = tpu.memref_slice %arg2[%add3A_36, %dma_wait3A_51] : memref<4096x1024xf32, #tpu.memory_space<hbm>> -> memref<64x1024xf32, #tpu.memory_space<hbm>>
    tpu.wait_dma2 semaphore(%arg10 : memref<!tpu.dma_semaphore, #tpu.memory_space<semaphore_mem>>) src(%dma_wait3A_52 : memref<64x1024xf32, #tpu.memory_space<hbm>>) dst(%arg8 : memref<64x1024xf32, #tpu.memory_space<vmem>>)
    %dma_wait3A_53 = arith.constant 0 : i32
    %dma_wait3A_54 = tpu.memref_slice %arg3[%add3A_36, %dma_wait3A_53] : memref<4096x128xf32, #tpu.memory_space<hbm>> -> memref<64x128xf32, #tpu.memory_space<hbm>>
    %dma_wait3A_55 = arith.constant 0 : i32
    %dma_wait3A_56 = tpu.memref_slice %arg3[%add3A_36, %dma_wait3A_55] : memref<4096x128xf32, #tpu.memory_space<hbm>> -> memref<64x128xf32, #tpu.memory_space<hbm>>
    tpu.wait_dma2 semaphore(%arg10 : memref<!tpu.dma_semaphore, #tpu.memory_space<semaphore_mem>>) src(%dma_wait3A_56 : memref<64x128xf32, #tpu.memory_space<hbm>>) dst(%arg9 : memref<64x128xf32, #tpu.memory_space<vmem>>)
    %dma_start3A_57 = arith.constant 0 : i32
    %dma_start3A_58 = arith.constant 0 : i32
    %dma_start3A_59 = tpu.memref_slice %arg5[%dma_start3A_57, %dma_start3A_58] : memref<6144x1024xf32, #tpu.memory_space<hbm>> -> memref<6144x1024xf32, #tpu.memory_space<hbm>>
    tpu.enqueue_indirect_dma source(%arg8 : memref<64x1024xf32, #tpu.memory_space<vmem>>) target(%dma_start3A_59 : memref<6144x1024xf32, #tpu.memory_space<hbm>>) offsets(%arg7 : memref<64xi32, #tpu.memory_space<vmem>>) semaphore(%arg10 : memref<!tpu.dma_semaphore, #tpu.memory_space<semaphore_mem>>)
    %dma_start3A_60 = arith.constant 0 : i32
    %dma_start3A_61 = arith.constant 0 : i32
    %dma_start3A_62 = tpu.memref_slice %arg6[%dma_start3A_60, %dma_start3A_61] : memref<6144x128xf32, #tpu.memory_space<hbm>> -> memref<6144x128xf32, #tpu.memory_space<hbm>>
    tpu.enqueue_indirect_dma source(%arg9 : memref<64x128xf32, #tpu.memory_space<vmem>>) target(%dma_start3A_62 : memref<6144x128xf32, #tpu.memory_space<hbm>>) offsets(%arg7 : memref<64xi32, #tpu.memory_space<vmem>>) semaphore(%arg10 : memref<!tpu.dma_semaphore, #tpu.memory_space<semaphore_mem>>)
    %dma_wait3A_63 = arith.constant 0 : i32
    %dma_wait3A_64 = arith.constant 0 : i32
    %dma_wait3A_65 = tpu.memref_slice %arg5[%dma_wait3A_63, %dma_wait3A_64] : memref<6144x1024xf32, #tpu.memory_space<hbm>> -> memref<6144x1024xf32, #tpu.memory_space<hbm>>
    tpu.wait_indirect_dma semaphore(%arg10 : memref<!tpu.dma_semaphore, #tpu.memory_space<semaphore_mem>>) src(%arg8 : memref<64x1024xf32, #tpu.memory_space<vmem>>) dst(%dma_wait3A_65 : memref<6144x1024xf32, #tpu.memory_space<hbm>>)
    %dma_wait3A_66 = arith.constant 0 : i32
    %dma_wait3A_67 = arith.constant 0 : i32
    %dma_wait3A_68 = tpu.memref_slice %arg6[%dma_wait3A_66, %dma_wait3A_67] : memref<6144x128xf32, #tpu.memory_space<hbm>> -> memref<6144x128xf32, #tpu.memory_space<hbm>>
    tpu.wait_indirect_dma semaphore(%arg10 : memref<!tpu.dma_semaphore, #tpu.memory_space<semaphore_mem>>) src(%arg9 : memref<64x128xf32, #tpu.memory_space<vmem>>) dst(%dma_wait3A_68 : memref<6144x128xf32, #tpu.memory_space<hbm>>)
    return
  }
}

module attributes {stable_mosaic.version = 14 : i64} {
  func.func @_router_body(%arg0: memref<4096x1024xf32, #tpu.memory_space<vmem>>, %arg1: memref<8x1024xf32, #tpu.memory_space<vmem>>, %arg2: memref<4096xi32, #tpu.memory_space<vmem>>, %arg3: memref<4096x128xf32, #tpu.memory_space<vmem>>, %arg4: memref<5x32xi32, #tpu.memory_space<vmem>>) attributes {dimension_semantics = [], scalar_prefetch = 0 : i64, scratch_operands = 0 : i64, tpu.core_type = #tpu.core_type<tc>} {
    %get3A = arith.constant 0 : index
    %get3A_0 = arith.constant 0 : index
    %get3A_1 = vector.load %arg0[%get3A, %get3A_0] : memref<4096x1024xf32, #tpu.memory_space<vmem>>, vector<4096x1024xf32>
    %get3A_2 = arith.constant 0 : index
    %get3A_3 = arith.constant 0 : index
    %get3A_4 = vector.load %arg1[%get3A_2, %get3A_3] : memref<8x1024xf32, #tpu.memory_space<vmem>>, vector<8x1024xf32>
    %dot_general3A = arith.constant dense<0.000000e+00> : vector<4096x8xf32>
    %dot_general3A_5 = tpu.matmul %get3A_1, %get3A_4, %dot_general3A {dimension_numbers = #tpu.dot_dimension_numbers<[1], [1], [0], [0], [0, 0, 1, 0], [], []>, transpose_lhs_hint = false} : vector<4096x1024xf32>, vector<8x1024xf32>, vector<4096x8xf32> -> vector<4096x8xf32>
    %reduce_max3A = arith.constant dense<0xFF800000> : vector<4096xf32>
    %reduce_max3A_6 = vector.multi_reduction <maximumf>, %dot_general3A_5, %reduce_max3A [1] : vector<4096x8xf32> to vector<4096xf32>
    %broadcast_in_dim3A = vector.shape_cast %reduce_max3A_6 : vector<4096xf32> to vector<4096x1xf32>
    %eq3A = vector.broadcast %broadcast_in_dim3A : vector<4096x1xf32> to vector<4096x8xf32>
    %eq3A_7 = arith.cmpf oeq, %dot_general3A_5, %eq3A : vector<4096x8xf32>
    %convert_element_type3A = arith.extui %eq3A_7 : vector<4096x8xi1> to vector<4096x8xi32>
    %convert_element_type3A_8 = arith.sitofp %convert_element_type3A : vector<4096x8xi32> to vector<4096x8xf32>
    %iota3A = tpu.iota {dimensions = array<i32: 0>} : vector<8x8xi32>
    %iota3A_9 = tpu.iota {dimensions = array<i32: 1>} : vector<8x8xi32>
    %le3A = arith.cmpi sle, %iota3A, %iota3A_9 : vector<8x8xi32>
    %convert_element_type3A_10 = arith.extui %le3A : vector<8x8xi1> to vector<8x8xi32>
    %convert_element_type3A_11 = arith.sitofp %convert_element_type3A_10 : vector<8x8xi32> to vector<8x8xf32>
    %dot_general3A_12 = arith.constant dense<0.000000e+00> : vector<4096x8xf32>
    %dot_general3A_13 = tpu.matmul %convert_element_type3A_8, %convert_element_type3A_11, %dot_general3A_12 {dimension_numbers = #tpu.dot_dimension_numbers<[1], [0], [0], [1], [0, 0, 1, 1], [], []>, transpose_lhs_hint = false} : vector<4096x8xf32>, vector<8x8xf32>, vector<4096x8xf32> -> vector<4096x8xf32>
    %eq3A_14 = arith.constant 1.000000e+00 : f32
    %eq3A_15 = vector.broadcast %eq3A_14 : f32 to vector<4096x8xf32>
    %eq3A_16 = arith.cmpf oeq, %dot_general3A_13, %eq3A_15 : vector<4096x8xf32>
    %convert_element_type3A_17 = arith.extui %eq3A_16 : vector<4096x8xi1> to vector<4096x8xi32>
    %convert_element_type3A_18 = arith.sitofp %convert_element_type3A_17 : vector<4096x8xi32> to vector<4096x8xf32>
    %mul3A = arith.mulf %convert_element_type3A_8, %convert_element_type3A_18 : vector<4096x8xf32>
    %gt3A = arith.constant 0.000000e+00 : f32
    %gt3A_19 = vector.broadcast %gt3A : f32 to vector<4096x8xf32>
    %gt3A_20 = arith.cmpf ogt, %mul3A, %gt3A_19 : vector<4096x8xf32>
    %jit3A = arith.constant 0xFF800000 : f32
    %broadcast_in_dim3A_21 = vector.broadcast %jit3A : f32 to vector<4096x8xf32>
    %select_n3A = arith.select %gt3A_20, %broadcast_in_dim3A_21, %dot_general3A_5 : vector<4096x8xi1>, vector<4096x8xf32>
    %reduce_max3A_22 = arith.constant dense<0xFF800000> : vector<4096xf32>
    %reduce_max3A_23 = vector.multi_reduction <maximumf>, %select_n3A, %reduce_max3A_22 [1] : vector<4096x8xf32> to vector<4096xf32>
    %broadcast_in_dim3A_24 = vector.shape_cast %reduce_max3A_23 : vector<4096xf32> to vector<4096x1xf32>
    %sub3A = arith.subf %broadcast_in_dim3A_24, %broadcast_in_dim3A : vector<4096x1xf32>
    %exp3A = math.exp %sub3A : vector<4096x1xf32>
    %add3A = arith.constant 1.000000e+00 : f32
    %add3A_25 = vector.broadcast %add3A : f32 to vector<4096x1xf32>
    %add3A_26 = arith.addf %add3A_25, %exp3A : vector<4096x1xf32>
    %div3A = arith.constant 1.000000e+00 : f32
    %div3A_27 = vector.broadcast %div3A : f32 to vector<4096x1xf32>
    %div3A_28 = arith.divf %div3A_27, %add3A_26 : vector<4096x1xf32>
    %reduce_sum3A = arith.constant dense<0.000000e+00> : vector<8xf32>
    %reduce_sum3A_29 = vector.multi_reduction <add>, %mul3A, %reduce_sum3A [0] : vector<4096x8xf32> to vector<8xf32>
    %broadcast_in_dim3A_30 = vector.shape_cast %reduce_sum3A_29 : vector<8xf32> to vector<1x8xf32>
    %mul3A_31 = arith.constant 3.906250e-03 : f32
    %mul3A_32 = vector.broadcast %mul3A_31 : f32 to vector<1x8xf32>
    %mul3A_33 = arith.mulf %broadcast_in_dim3A_30, %mul3A_32 : vector<1x8xf32>
    %ceil3A = math.ceil %mul3A_33 : vector<1x8xf32>
    %mul3A_34 = arith.constant 2.560000e+02 : f32
    %mul3A_35 = vector.broadcast %mul3A_34 : f32 to vector<1x8xf32>
    %mul3A_36 = arith.mulf %ceil3A, %mul3A_35 : vector<1x8xf32>
    %iota3A_37 = tpu.iota {dimensions = array<i32: 0>} : vector<8x16xi32>
    %iota3A_38 = tpu.iota {dimensions = array<i32: 1>} : vector<8x16xi32>
    %lt3A = arith.cmpi slt, %iota3A_37, %iota3A_38 : vector<8x16xi32>
    %convert_element_type3A_39 = arith.extui %lt3A : vector<8x16xi1> to vector<8x16xi32>
    %convert_element_type3A_40 = arith.sitofp %convert_element_type3A_39 : vector<8x16xi32> to vector<8x16xf32>
    %reshape3A = vector.shape_cast %mul3A_36 : vector<1x8xf32> to vector<8x1xf32>
    %mul3A_41 = vector.broadcast %reshape3A : vector<8x1xf32> to vector<8x16xf32>
    %mul3A_42 = arith.mulf %mul3A_41, %convert_element_type3A_40 : vector<8x16xf32>
    %reduce_sum3A_43 = arith.constant dense<0.000000e+00> : vector<16xf32>
    %reduce_sum3A_44 = vector.multi_reduction <add>, %mul3A_42, %reduce_sum3A_43 [0] : vector<8x16xf32> to vector<16xf32>
    %broadcast_in_dim3A_45 = vector.shape_cast %reduce_sum3A_44 : vector<16xf32> to vector<1x16xf32>
    %iota3A_46 = tpu.iota {dimensions = array<i32: 0>} : vector<256x256xi32>
    %iota3A_47 = tpu.iota {dimensions = array<i32: 1>} : vector<256x256xi32>
    %lt3A_48 = arith.cmpi slt, %iota3A_47, %iota3A_46 : vector<256x256xi32>
    %convert_element_type3A_49 = arith.extui %lt3A_48 : vector<256x256xi1> to vector<256x256xi32>
    %convert_element_type3A_50 = arith.sitofp %convert_element_type3A_49 : vector<256x256xi32> to vector<256x256xf32>
    %broadcast_in_dim3A_51 = arith.constant 0.000000e+00 : f32
    %broadcast_in_dim3A_52 = vector.broadcast %broadcast_in_dim3A_51 : f32 to vector<1x8xf32>
    %slice3A = vector.extract_strided_slice %mul3A {offsets = [0, 0], sizes = [256, 8], strides = [1, 1]} : vector<4096x8xf32> to vector<256x8xf32>
    %dot_general3A_53 = arith.constant dense<0.000000e+00> : vector<256x8xf32>
    %dot_general3A_54 = tpu.matmul %convert_element_type3A_50, %slice3A, %dot_general3A_53 {dimension_numbers = #tpu.dot_dimension_numbers<[1], [0], [0], [1], [0, 0, 1, 1], [], []>, transpose_lhs_hint = false} : vector<256x256xf32>, vector<256x8xf32>, vector<256x8xf32> -> vector<256x8xf32>
    %add3A_55 = vector.broadcast %broadcast_in_dim3A_52 : vector<1x8xf32> to vector<256x8xf32>
    %add3A_56 = arith.addf %dot_general3A_54, %add3A_55 : vector<256x8xf32>
    %reduce_sum3A_57 = arith.constant dense<0.000000e+00> : vector<8xf32>
    %reduce_sum3A_58 = vector.multi_reduction <add>, %slice3A, %reduce_sum3A_57 [0] : vector<256x8xf32> to vector<8xf32>
    %broadcast_in_dim3A_59 = vector.shape_cast %reduce_sum3A_58 : vector<8xf32> to vector<1x8xf32>
    %add3A_60 = arith.addf %broadcast_in_dim3A_52, %broadcast_in_dim3A_59 : vector<1x8xf32>
    %slice3A_61 = vector.extract_strided_slice %mul3A {offsets = [256, 0], sizes = [256, 8], strides = [1, 1]} : vector<4096x8xf32> to vector<256x8xf32>
    %dot_general3A_62 = arith.constant dense<0.000000e+00> : vector<256x8xf32>
    %dot_general3A_63 = tpu.matmul %convert_element_type3A_50, %slice3A_61, %dot_general3A_62 {dimension_numbers = #tpu.dot_dimension_numbers<[1], [0], [0], [1], [0, 0, 1, 1], [], []>, transpose_lhs_hint = false} : vector<256x256xf32>, vector<256x8xf32>, vector<256x8xf32> -> vector<256x8xf32>
    %add3A_64 = vector.broadcast %add3A_60 : vector<1x8xf32> to vector<256x8xf32>
    %add3A_65 = arith.addf %dot_general3A_63, %add3A_64 : vector<256x8xf32>
    %reduce_sum3A_66 = arith.constant dense<0.000000e+00> : vector<8xf32>
    %reduce_sum3A_67 = vector.multi_reduction <add>, %slice3A_61, %reduce_sum3A_66 [0] : vector<256x8xf32> to vector<8xf32>
    %broadcast_in_dim3A_68 = vector.shape_cast %reduce_sum3A_67 : vector<8xf32> to vector<1x8xf32>
    %add3A_69 = arith.addf %add3A_60, %broadcast_in_dim3A_68 : vector<1x8xf32>
    %slice3A_70 = vector.extract_strided_slice %mul3A {offsets = [512, 0], sizes = [256, 8], strides = [1, 1]} : vector<4096x8xf32> to vector<256x8xf32>
    %dot_general3A_71 = arith.constant dense<0.000000e+00> : vector<256x8xf32>
    %dot_general3A_72 = tpu.matmul %convert_element_type3A_50, %slice3A_70, %dot_general3A_71 {dimension_numbers = #tpu.dot_dimension_numbers<[1], [0], [0], [1], [0, 0, 1, 1], [], []>, transpose_lhs_hint = false} : vector<256x256xf32>, vector<256x8xf32>, vector<256x8xf32> -> vector<256x8xf32>
    %add3A_73 = vector.broadcast %add3A_69 : vector<1x8xf32> to vector<256x8xf32>
    %add3A_74 = arith.addf %dot_general3A_72, %add3A_73 : vector<256x8xf32>
    %reduce_sum3A_75 = arith.constant dense<0.000000e+00> : vector<8xf32>
    %reduce_sum3A_76 = vector.multi_reduction <add>, %slice3A_70, %reduce_sum3A_75 [0] : vector<256x8xf32> to vector<8xf32>
    %broadcast_in_dim3A_77 = vector.shape_cast %reduce_sum3A_76 : vector<8xf32> to vector<1x8xf32>
    %add3A_78 = arith.addf %add3A_69, %broadcast_in_dim3A_77 : vector<1x8xf32>
    %slice3A_79 = vector.extract_strided_slice %mul3A {offsets = [768, 0], sizes = [256, 8], strides = [1, 1]} : vector<4096x8xf32> to vector<256x8xf32>
    %dot_general3A_80 = arith.constant dense<0.000000e+00> : vector<256x8xf32>
    %dot_general3A_81 = tpu.matmul %convert_element_type3A_50, %slice3A_79, %dot_general3A_80 {dimension_numbers = #tpu.dot_dimension_numbers<[1], [0], [0], [1], [0, 0, 1, 1], [], []>, transpose_lhs_hint = false} : vector<256x256xf32>, vector<256x8xf32>, vector<256x8xf32> -> vector<256x8xf32>
    %add3A_82 = vector.broadcast %add3A_78 : vector<1x8xf32> to vector<256x8xf32>
    %add3A_83 = arith.addf %dot_general3A_81, %add3A_82 : vector<256x8xf32>
    %reduce_sum3A_84 = arith.constant dense<0.000000e+00> : vector<8xf32>
    %reduce_sum3A_85 = vector.multi_reduction <add>, %slice3A_79, %reduce_sum3A_84 [0] : vector<256x8xf32> to vector<8xf32>
    %broadcast_in_dim3A_86 = vector.shape_cast %reduce_sum3A_85 : vector<8xf32> to vector<1x8xf32>
    %add3A_87 = arith.addf %add3A_78, %broadcast_in_dim3A_86 : vector<1x8xf32>
    %slice3A_88 = vector.extract_strided_slice %mul3A {offsets = [1024, 0], sizes = [256, 8], strides = [1, 1]} : vector<4096x8xf32> to vector<256x8xf32>
    %dot_general3A_89 = arith.constant dense<0.000000e+00> : vector<256x8xf32>
    %dot_general3A_90 = tpu.matmul %convert_element_type3A_50, %slice3A_88, %dot_general3A_89 {dimension_numbers = #tpu.dot_dimension_numbers<[1], [0], [0], [1], [0, 0, 1, 1], [], []>, transpose_lhs_hint = false} : vector<256x256xf32>, vector<256x8xf32>, vector<256x8xf32> -> vector<256x8xf32>
    %add3A_91 = vector.broadcast %add3A_87 : vector<1x8xf32> to vector<256x8xf32>
    %add3A_92 = arith.addf %dot_general3A_90, %add3A_91 : vector<256x8xf32>
    %reduce_sum3A_93 = arith.constant dense<0.000000e+00> : vector<8xf32>
    %reduce_sum3A_94 = vector.multi_reduction <add>, %slice3A_88, %reduce_sum3A_93 [0] : vector<256x8xf32> to vector<8xf32>
    %broadcast_in_dim3A_95 = vector.shape_cast %reduce_sum3A_94 : vector<8xf32> to vector<1x8xf32>
    %add3A_96 = arith.addf %add3A_87, %broadcast_in_dim3A_95 : vector<1x8xf32>
    %slice3A_97 = vector.extract_strided_slice %mul3A {offsets = [1280, 0], sizes = [256, 8], strides = [1, 1]} : vector<4096x8xf32> to vector<256x8xf32>
    %dot_general3A_98 = arith.constant dense<0.000000e+00> : vector<256x8xf32>
    %dot_general3A_99 = tpu.matmul %convert_element_type3A_50, %slice3A_97, %dot_general3A_98 {dimension_numbers = #tpu.dot_dimension_numbers<[1], [0], [0], [1], [0, 0, 1, 1], [], []>, transpose_lhs_hint = false} : vector<256x256xf32>, vector<256x8xf32>, vector<256x8xf32> -> vector<256x8xf32>
    %add3A_100 = vector.broadcast %add3A_96 : vector<1x8xf32> to vector<256x8xf32>
    %add3A_101 = arith.addf %dot_general3A_99, %add3A_100 : vector<256x8xf32>
    %reduce_sum3A_102 = arith.constant dense<0.000000e+00> : vector<8xf32>
    %reduce_sum3A_103 = vector.multi_reduction <add>, %slice3A_97, %reduce_sum3A_102 [0] : vector<256x8xf32> to vector<8xf32>
    %broadcast_in_dim3A_104 = vector.shape_cast %reduce_sum3A_103 : vector<8xf32> to vector<1x8xf32>
    %add3A_105 = arith.addf %add3A_96, %broadcast_in_dim3A_104 : vector<1x8xf32>
    %slice3A_106 = vector.extract_strided_slice %mul3A {offsets = [1536, 0], sizes = [256, 8], strides = [1, 1]} : vector<4096x8xf32> to vector<256x8xf32>
    %dot_general3A_107 = arith.constant dense<0.000000e+00> : vector<256x8xf32>
    %dot_general3A_108 = tpu.matmul %convert_element_type3A_50, %slice3A_106, %dot_general3A_107 {dimension_numbers = #tpu.dot_dimension_numbers<[1], [0], [0], [1], [0, 0, 1, 1], [], []>, transpose_lhs_hint = false} : vector<256x256xf32>, vector<256x8xf32>, vector<256x8xf32> -> vector<256x8xf32>
    %add3A_109 = vector.broadcast %add3A_105 : vector<1x8xf32> to vector<256x8xf32>
    %add3A_110 = arith.addf %dot_general3A_108, %add3A_109 : vector<256x8xf32>
    %reduce_sum3A_111 = arith.constant dense<0.000000e+00> : vector<8xf32>
    %reduce_sum3A_112 = vector.multi_reduction <add>, %slice3A_106, %reduce_sum3A_111 [0] : vector<256x8xf32> to vector<8xf32>
    %broadcast_in_dim3A_113 = vector.shape_cast %reduce_sum3A_112 : vector<8xf32> to vector<1x8xf32>
    %add3A_114 = arith.addf %add3A_105, %broadcast_in_dim3A_113 : vector<1x8xf32>
    %slice3A_115 = vector.extract_strided_slice %mul3A {offsets = [1792, 0], sizes = [256, 8], strides = [1, 1]} : vector<4096x8xf32> to vector<256x8xf32>
    %dot_general3A_116 = arith.constant dense<0.000000e+00> : vector<256x8xf32>
    %dot_general3A_117 = tpu.matmul %convert_element_type3A_50, %slice3A_115, %dot_general3A_116 {dimension_numbers = #tpu.dot_dimension_numbers<[1], [0], [0], [1], [0, 0, 1, 1], [], []>, transpose_lhs_hint = false} : vector<256x256xf32>, vector<256x8xf32>, vector<256x8xf32> -> vector<256x8xf32>
    %add3A_118 = vector.broadcast %add3A_114 : vector<1x8xf32> to vector<256x8xf32>
    %add3A_119 = arith.addf %dot_general3A_117, %add3A_118 : vector<256x8xf32>
    %reduce_sum3A_120 = arith.constant dense<0.000000e+00> : vector<8xf32>
    %reduce_sum3A_121 = vector.multi_reduction <add>, %slice3A_115, %reduce_sum3A_120 [0] : vector<256x8xf32> to vector<8xf32>
    %broadcast_in_dim3A_122 = vector.shape_cast %reduce_sum3A_121 : vector<8xf32> to vector<1x8xf32>
    %add3A_123 = arith.addf %add3A_114, %broadcast_in_dim3A_122 : vector<1x8xf32>
    %slice3A_124 = vector.extract_strided_slice %mul3A {offsets = [2048, 0], sizes = [256, 8], strides = [1, 1]} : vector<4096x8xf32> to vector<256x8xf32>
    %dot_general3A_125 = arith.constant dense<0.000000e+00> : vector<256x8xf32>
    %dot_general3A_126 = tpu.matmul %convert_element_type3A_50, %slice3A_124, %dot_general3A_125 {dimension_numbers = #tpu.dot_dimension_numbers<[1], [0], [0], [1], [0, 0, 1, 1], [], []>, transpose_lhs_hint = false} : vector<256x256xf32>, vector<256x8xf32>, vector<256x8xf32> -> vector<256x8xf32>
    %add3A_127 = vector.broadcast %add3A_123 : vector<1x8xf32> to vector<256x8xf32>
    %add3A_128 = arith.addf %dot_general3A_126, %add3A_127 : vector<256x8xf32>
    %reduce_sum3A_129 = arith.constant dense<0.000000e+00> : vector<8xf32>
    %reduce_sum3A_130 = vector.multi_reduction <add>, %slice3A_124, %reduce_sum3A_129 [0] : vector<256x8xf32> to vector<8xf32>
    %broadcast_in_dim3A_131 = vector.shape_cast %reduce_sum3A_130 : vector<8xf32> to vector<1x8xf32>
    %add3A_132 = arith.addf %add3A_123, %broadcast_in_dim3A_131 : vector<1x8xf32>
    %slice3A_133 = vector.extract_strided_slice %mul3A {offsets = [2304, 0], sizes = [256, 8], strides = [1, 1]} : vector<4096x8xf32> to vector<256x8xf32>
    %dot_general3A_134 = arith.constant dense<0.000000e+00> : vector<256x8xf32>
    %dot_general3A_135 = tpu.matmul %convert_element_type3A_50, %slice3A_133, %dot_general3A_134 {dimension_numbers = #tpu.dot_dimension_numbers<[1], [0], [0], [1], [0, 0, 1, 1], [], []>, transpose_lhs_hint = false} : vector<256x256xf32>, vector<256x8xf32>, vector<256x8xf32> -> vector<256x8xf32>
    %add3A_136 = vector.broadcast %add3A_132 : vector<1x8xf32> to vector<256x8xf32>
    %add3A_137 = arith.addf %dot_general3A_135, %add3A_136 : vector<256x8xf32>
    %reduce_sum3A_138 = arith.constant dense<0.000000e+00> : vector<8xf32>
    %reduce_sum3A_139 = vector.multi_reduction <add>, %slice3A_133, %reduce_sum3A_138 [0] : vector<256x8xf32> to vector<8xf32>
    %broadcast_in_dim3A_140 = vector.shape_cast %reduce_sum3A_139 : vector<8xf32> to vector<1x8xf32>
    %add3A_141 = arith.addf %add3A_132, %broadcast_in_dim3A_140 : vector<1x8xf32>
    %slice3A_142 = vector.extract_strided_slice %mul3A {offsets = [2560, 0], sizes = [256, 8], strides = [1, 1]} : vector<4096x8xf32> to vector<256x8xf32>
    %dot_general3A_143 = arith.constant dense<0.000000e+00> : vector<256x8xf32>
    %dot_general3A_144 = tpu.matmul %convert_element_type3A_50, %slice3A_142, %dot_general3A_143 {dimension_numbers = #tpu.dot_dimension_numbers<[1], [0], [0], [1], [0, 0, 1, 1], [], []>, transpose_lhs_hint = false} : vector<256x256xf32>, vector<256x8xf32>, vector<256x8xf32> -> vector<256x8xf32>
    %add3A_145 = vector.broadcast %add3A_141 : vector<1x8xf32> to vector<256x8xf32>
    %add3A_146 = arith.addf %dot_general3A_144, %add3A_145 : vector<256x8xf32>
    %reduce_sum3A_147 = arith.constant dense<0.000000e+00> : vector<8xf32>
    %reduce_sum3A_148 = vector.multi_reduction <add>, %slice3A_142, %reduce_sum3A_147 [0] : vector<256x8xf32> to vector<8xf32>
    %broadcast_in_dim3A_149 = vector.shape_cast %reduce_sum3A_148 : vector<8xf32> to vector<1x8xf32>
    %add3A_150 = arith.addf %add3A_141, %broadcast_in_dim3A_149 : vector<1x8xf32>
    %slice3A_151 = vector.extract_strided_slice %mul3A {offsets = [2816, 0], sizes = [256, 8], strides = [1, 1]} : vector<4096x8xf32> to vector<256x8xf32>
    %dot_general3A_152 = arith.constant dense<0.000000e+00> : vector<256x8xf32>
    %dot_general3A_153 = tpu.matmul %convert_element_type3A_50, %slice3A_151, %dot_general3A_152 {dimension_numbers = #tpu.dot_dimension_numbers<[1], [0], [0], [1], [0, 0, 1, 1], [], []>, transpose_lhs_hint = false} : vector<256x256xf32>, vector<256x8xf32>, vector<256x8xf32> -> vector<256x8xf32>
    %add3A_154 = vector.broadcast %add3A_150 : vector<1x8xf32> to vector<256x8xf32>
    %add3A_155 = arith.addf %dot_general3A_153, %add3A_154 : vector<256x8xf32>
    %reduce_sum3A_156 = arith.constant dense<0.000000e+00> : vector<8xf32>
    %reduce_sum3A_157 = vector.multi_reduction <add>, %slice3A_151, %reduce_sum3A_156 [0] : vector<256x8xf32> to vector<8xf32>
    %broadcast_in_dim3A_158 = vector.shape_cast %reduce_sum3A_157 : vector<8xf32> to vector<1x8xf32>
    %add3A_159 = arith.addf %add3A_150, %broadcast_in_dim3A_158 : vector<1x8xf32>
    %slice3A_160 = vector.extract_strided_slice %mul3A {offsets = [3072, 0], sizes = [256, 8], strides = [1, 1]} : vector<4096x8xf32> to vector<256x8xf32>
    %dot_general3A_161 = arith.constant dense<0.000000e+00> : vector<256x8xf32>
    %dot_general3A_162 = tpu.matmul %convert_element_type3A_50, %slice3A_160, %dot_general3A_161 {dimension_numbers = #tpu.dot_dimension_numbers<[1], [0], [0], [1], [0, 0, 1, 1], [], []>, transpose_lhs_hint = false} : vector<256x256xf32>, vector<256x8xf32>, vector<256x8xf32> -> vector<256x8xf32>
    %add3A_163 = vector.broadcast %add3A_159 : vector<1x8xf32> to vector<256x8xf32>
    %add3A_164 = arith.addf %dot_general3A_162, %add3A_163 : vector<256x8xf32>
    %reduce_sum3A_165 = arith.constant dense<0.000000e+00> : vector<8xf32>
    %reduce_sum3A_166 = vector.multi_reduction <add>, %slice3A_160, %reduce_sum3A_165 [0] : vector<256x8xf32> to vector<8xf32>
    %broadcast_in_dim3A_167 = vector.shape_cast %reduce_sum3A_166 : vector<8xf32> to vector<1x8xf32>
    %add3A_168 = arith.addf %add3A_159, %broadcast_in_dim3A_167 : vector<1x8xf32>
    %slice3A_169 = vector.extract_strided_slice %mul3A {offsets = [3328, 0], sizes = [256, 8], strides = [1, 1]} : vector<4096x8xf32> to vector<256x8xf32>
    %dot_general3A_170 = arith.constant dense<0.000000e+00> : vector<256x8xf32>
    %dot_general3A_171 = tpu.matmul %convert_element_type3A_50, %slice3A_169, %dot_general3A_170 {dimension_numbers = #tpu.dot_dimension_numbers<[1], [0], [0], [1], [0, 0, 1, 1], [], []>, transpose_lhs_hint = false} : vector<256x256xf32>, vector<256x8xf32>, vector<256x8xf32> -> vector<256x8xf32>
    %add3A_172 = vector.broadcast %add3A_168 : vector<1x8xf32> to vector<256x8xf32>
    %add3A_173 = arith.addf %dot_general3A_171, %add3A_172 : vector<256x8xf32>
    %reduce_sum3A_174 = arith.constant dense<0.000000e+00> : vector<8xf32>
    %reduce_sum3A_175 = vector.multi_reduction <add>, %slice3A_169, %reduce_sum3A_174 [0] : vector<256x8xf32> to vector<8xf32>
    %broadcast_in_dim3A_176 = vector.shape_cast %reduce_sum3A_175 : vector<8xf32> to vector<1x8xf32>
    %add3A_177 = arith.addf %add3A_168, %broadcast_in_dim3A_176 : vector<1x8xf32>
    %slice3A_178 = vector.extract_strided_slice %mul3A {offsets = [3584, 0], sizes = [256, 8], strides = [1, 1]} : vector<4096x8xf32> to vector<256x8xf32>
    %dot_general3A_179 = arith.constant dense<0.000000e+00> : vector<256x8xf32>
    %dot_general3A_180 = tpu.matmul %convert_element_type3A_50, %slice3A_178, %dot_general3A_179 {dimension_numbers = #tpu.dot_dimension_numbers<[1], [0], [0], [1], [0, 0, 1, 1], [], []>, transpose_lhs_hint = false} : vector<256x256xf32>, vector<256x8xf32>, vector<256x8xf32> -> vector<256x8xf32>
    %add3A_181 = vector.broadcast %add3A_177 : vector<1x8xf32> to vector<256x8xf32>
    %add3A_182 = arith.addf %dot_general3A_180, %add3A_181 : vector<256x8xf32>
    %reduce_sum3A_183 = arith.constant dense<0.000000e+00> : vector<8xf32>
    %reduce_sum3A_184 = vector.multi_reduction <add>, %slice3A_178, %reduce_sum3A_183 [0] : vector<256x8xf32> to vector<8xf32>
    %broadcast_in_dim3A_185 = vector.shape_cast %reduce_sum3A_184 : vector<8xf32> to vector<1x8xf32>
    %add3A_186 = arith.addf %add3A_177, %broadcast_in_dim3A_185 : vector<1x8xf32>
    %slice3A_187 = vector.extract_strided_slice %mul3A {offsets = [3840, 0], sizes = [256, 8], strides = [1, 1]} : vector<4096x8xf32> to vector<256x8xf32>
    %dot_general3A_188 = arith.constant dense<0.000000e+00> : vector<256x8xf32>
    %dot_general3A_189 = tpu.matmul %convert_element_type3A_50, %slice3A_187, %dot_general3A_188 {dimension_numbers = #tpu.dot_dimension_numbers<[1], [0], [0], [1], [0, 0, 1, 1], [], []>, transpose_lhs_hint = false} : vector<256x256xf32>, vector<256x8xf32>, vector<256x8xf32> -> vector<256x8xf32>
    %add3A_190 = vector.broadcast %add3A_186 : vector<1x8xf32> to vector<256x8xf32>
    %add3A_191 = arith.addf %dot_general3A_189, %add3A_190 : vector<256x8xf32>
    %concatenate3A = tpu.concatenate %add3A_56, %add3A_65, %add3A_74, %add3A_83, %add3A_92, %add3A_101, %add3A_110, %add3A_119, %add3A_128, %add3A_137, %add3A_146, %add3A_155, %add3A_164, %add3A_173, %add3A_182, %add3A_191 in 0 : vector<256x8xf32>, vector<256x8xf32>, vector<256x8xf32>, vector<256x8xf32>, vector<256x8xf32>, vector<256x8xf32>, vector<256x8xf32>, vector<256x8xf32>, vector<256x8xf32>, vector<256x8xf32>, vector<256x8xf32>, vector<256x8xf32>, vector<256x8xf32>, vector<256x8xf32>, vector<256x8xf32>, vector<256x8xf32> -> vector<4096x8xf32>
    %slice3A_192 = vector.extract_strided_slice %broadcast_in_dim3A_45 {offsets = [0, 0], sizes = [1, 8], strides = [1, 1]} : vector<1x16xf32> to vector<1x8xf32>
    %add3A_193 = vector.broadcast %slice3A_192 : vector<1x8xf32> to vector<4096x8xf32>
    %add3A_194 = arith.addf %concatenate3A, %add3A_193 : vector<4096x8xf32>
    %mul3A_195 = arith.mulf %mul3A, %add3A_194 : vector<4096x8xf32>
    %reduce_sum3A_196 = arith.constant dense<0.000000e+00> : vector<4096xf32>
    %reduce_sum3A_197 = vector.multi_reduction <add>, %mul3A_195, %reduce_sum3A_196 [1] : vector<4096x8xf32> to vector<4096xf32>
    %broadcast_in_dim3A_198 = vector.shape_cast %reduce_sum3A_197 : vector<4096xf32> to vector<4096x1xf32>
    %convert_element_type3A_199 = arith.fptosi %broadcast_in_dim3A_198 : vector<4096x1xf32> to vector<4096x1xi32>
    %reshape3A_200 = vector.shape_cast %convert_element_type3A_199 : vector<4096x1xi32> to vector<4096xi32>
    %swap3A = arith.constant 0 : index
    %swap3A_201 = vector.load %arg2[%swap3A] : memref<4096xi32, #tpu.memory_space<vmem>>, vector<4096xi32>
    tpu.vector_store %arg2[%swap3A], %reshape3A_200 {strides = array<i32>} : memref<4096xi32, #tpu.memory_space<vmem>>, vector<4096xi32>,
    %broadcast_in_dim3A_202 = vector.shape_cast %div3A_28 : vector<4096x1xf32> to vector<4096x1xf32>
    %broadcast_in_dim3A_203 = vector.broadcast %broadcast_in_dim3A_202 : vector<4096x1xf32> to vector<4096x128xf32>
    %swap3A_204 = arith.constant 0 : index
    %swap3A_205 = arith.constant 0 : index
    %swap3A_206 = vector.load %arg3[%swap3A_204, %swap3A_205] : memref<4096x128xf32, #tpu.memory_space<vmem>>, vector<4096x128xf32>
    tpu.vector_store %arg3[%swap3A_204, %swap3A_205], %broadcast_in_dim3A_203 {strides = array<i32>} : memref<4096x128xf32, #tpu.memory_space<vmem>>, vector<4096x128xf32>,
    %ge3A = arith.cmpi sge, %iota3A, %iota3A_9 : vector<8x8xi32>
    %convert_element_type3A_207 = arith.extui %ge3A : vector<8x8xi1> to vector<8x8xi32>
    %convert_element_type3A_208 = arith.sitofp %convert_element_type3A_207 : vector<8x8xi32> to vector<8x8xf32>
    %broadcast_in_dim3A_209 = vector.shape_cast %mul3A_36 : vector<1x8xf32> to vector<1x8xf32>
    %broadcast_in_dim3A_210 = vector.broadcast %broadcast_in_dim3A_209 : vector<1x8xf32> to vector<8x8xf32>
    %mul3A_211 = arith.mulf %broadcast_in_dim3A_210, %convert_element_type3A_208 : vector<8x8xf32>
    %reduce_sum3A_212 = arith.constant dense<0.000000e+00> : vector<8xf32>
    %reduce_sum3A_213 = vector.multi_reduction <add>, %mul3A_211, %reduce_sum3A_212 [1] : vector<8x8xf32> to vector<8xf32>
    %broadcast_in_dim3A_214 = vector.shape_cast %reduce_sum3A_213 : vector<8xf32> to vector<8x1xf32>
    %iota3A_215 = tpu.iota {dimensions = array<i32: 1>} : vector<1x32xi32>
    %mul3A_216 = arith.constant 256 : i32
    %mul3A_217 = vector.broadcast %mul3A_216 : i32 to vector<1x32xi32>
    %mul3A_218 = arith.muli %iota3A_215, %mul3A_217 : vector<1x32xi32>
    %convert_element_type3A_219 = arith.sitofp %mul3A_218 : vector<1x32xi32> to vector<1x32xf32>
    %le3A_220 = vector.broadcast %broadcast_in_dim3A_214 : vector<8x1xf32> to vector<8x32xf32>
    %le3A_221 = vector.broadcast %convert_element_type3A_219 : vector<1x32xf32> to vector<8x32xf32>
    %le3A_222 = arith.cmpf ole, %le3A_220, %le3A_221 : vector<8x32xf32>
    %convert_element_type3A_223 = arith.extui %le3A_222 : vector<8x32xi1> to vector<8x32xi32>
    %convert_element_type3A_224 = arith.sitofp %convert_element_type3A_223 : vector<8x32xi32> to vector<8x32xf32>
    %reduce_sum3A_225 = arith.constant dense<0.000000e+00> : vector<32xf32>
    %reduce_sum3A_226 = vector.multi_reduction <add>, %convert_element_type3A_224, %reduce_sum3A_225 [0] : vector<8x32xf32> to vector<32xf32>
    %broadcast_in_dim3A_227 = vector.shape_cast %reduce_sum3A_226 : vector<32xf32> to vector<1x32xf32>
    %reduce_sum3A_228 = arith.constant dense<0.000000e+00> : vector<1xf32>
    %reduce_sum3A_229 = vector.multi_reduction <add>, %mul3A_36, %reduce_sum3A_228 [1] : vector<1x8xf32> to vector<1xf32>
    %broadcast_in_dim3A_230 = vector.shape_cast %reduce_sum3A_229 : vector<1xf32> to vector<1x1xf32>
    %ge3A_231 = vector.broadcast %broadcast_in_dim3A_230 : vector<1x1xf32> to vector<1x32xf32>
    %ge3A_232 = arith.cmpf oge, %convert_element_type3A_219, %ge3A_231 : vector<1x32xf32>
    %convert_element_type3A_233 = arith.extui %ge3A_232 : vector<1x32xi1> to vector<1x32xi32>
    %convert_element_type3A_234 = arith.sitofp %convert_element_type3A_233 : vector<1x32xi32> to vector<1x32xf32>
    %sub3A_235 = arith.constant 2.560000e+02 : f32
    %sub3A_236 = vector.broadcast %sub3A_235 : f32 to vector<1x1xf32>
    %sub3A_237 = arith.subf %broadcast_in_dim3A_230, %sub3A_236 : vector<1x1xf32>
    %le3A_238 = vector.broadcast %sub3A_237 : vector<1x1xf32> to vector<8x1xf32>
    %le3A_239 = arith.cmpf ole, %broadcast_in_dim3A_214, %le3A_238 : vector<8x1xf32>
    %convert_element_type3A_240 = arith.extui %le3A_239 : vector<8x1xi1> to vector<8x1xi32>
    %convert_element_type3A_241 = arith.sitofp %convert_element_type3A_240 : vector<8x1xi32> to vector<8x1xf32>
    %reduce_sum3A_242 = arith.constant dense<0.000000e+00> : vector<1xf32>
    %reduce_sum3A_243 = vector.multi_reduction <add>, %convert_element_type3A_241, %reduce_sum3A_242 [0] : vector<8x1xf32> to vector<1xf32>
    %broadcast_in_dim3A_244 = vector.shape_cast %reduce_sum3A_243 : vector<1xf32> to vector<1x1xf32>
    %min3A = vector.broadcast %broadcast_in_dim3A_244 : vector<1x1xf32> to vector<1x32xf32>
    %min3A_245 = arith.minimumf %broadcast_in_dim3A_227, %min3A : vector<1x32xf32>
    %broadcast_in_dim3A_246 = arith.constant -1.000000e+00 : f32
    %broadcast_in_dim3A_247 = vector.broadcast %broadcast_in_dim3A_246 : f32 to vector<1x1xf32>
    %slice3A_248 = vector.extract_strided_slice %min3A_245 {offsets = [0, 0], sizes = [1, 31], strides = [1, 1]} : vector<1x32xf32> to vector<1x31xf32>
    %concatenate3A_249 = tpu.concatenate %broadcast_in_dim3A_247, %slice3A_248 in 1 : vector<1x1xf32>, vector<1x31xf32> -> vector<1x32xf32>
    %ne3A = arith.cmpf one, %min3A_245, %concatenate3A_249 : vector<1x32xf32>
    %convert_element_type3A_250 = arith.extui %ne3A : vector<1x32xi1> to vector<1x32xi32>
    %convert_element_type3A_251 = arith.sitofp %convert_element_type3A_250 : vector<1x32xi32> to vector<1x32xf32>
    %broadcast_in_dim3A_252 = arith.constant 0.000000e+00 : f32
    %broadcast_in_dim3A_253 = vector.broadcast %broadcast_in_dim3A_252 : f32 to vector<1x1xf32>
    %slice3A_254 = vector.extract_strided_slice %convert_element_type3A_251 {offsets = [0, 0], sizes = [1, 31], strides = [1, 1]} : vector<1x32xf32> to vector<1x31xf32>
    %concatenate3A_255 = tpu.concatenate %broadcast_in_dim3A_253, %slice3A_254 in 1 : vector<1x1xf32>, vector<1x31xf32> -> vector<1x32xf32>
    %add3A_256 = arith.addf %convert_element_type3A_251, %concatenate3A_255 : vector<1x32xf32>
    %broadcast_in_dim3A_257 = arith.constant 0.000000e+00 : f32
    %broadcast_in_dim3A_258 = vector.broadcast %broadcast_in_dim3A_257 : f32 to vector<1x2xf32>
    %slice3A_259 = vector.extract_strided_slice %add3A_256 {offsets = [0, 0], sizes = [1, 30], strides = [1, 1]} : vector<1x32xf32> to vector<1x30xf32>
    %concatenate3A_260 = tpu.concatenate %broadcast_in_dim3A_258, %slice3A_259 in 1 : vector<1x2xf32>, vector<1x30xf32> -> vector<1x32xf32>
    %add3A_261 = arith.addf %add3A_256, %concatenate3A_260 : vector<1x32xf32>
    %broadcast_in_dim3A_262 = arith.constant 0.000000e+00 : f32
    %broadcast_in_dim3A_263 = vector.broadcast %broadcast_in_dim3A_262 : f32 to vector<1x4xf32>
    %slice3A_264 = vector.extract_strided_slice %add3A_261 {offsets = [0, 0], sizes = [1, 28], strides = [1, 1]} : vector<1x32xf32> to vector<1x28xf32>
    %concatenate3A_265 = tpu.concatenate %broadcast_in_dim3A_263, %slice3A_264 in 1 : vector<1x4xf32>, vector<1x28xf32> -> vector<1x32xf32>
    %add3A_266 = arith.addf %add3A_261, %concatenate3A_265 : vector<1x32xf32>
    %broadcast_in_dim3A_267 = arith.constant 0.000000e+00 : f32
    %broadcast_in_dim3A_268 = vector.broadcast %broadcast_in_dim3A_267 : f32 to vector<1x8xf32>
    %slice3A_269 = vector.extract_strided_slice %add3A_266 {offsets = [0, 0], sizes = [1, 24], strides = [1, 1]} : vector<1x32xf32> to vector<1x24xf32>
    %concatenate3A_270 = tpu.concatenate %broadcast_in_dim3A_268, %slice3A_269 in 1 : vector<1x8xf32>, vector<1x24xf32> -> vector<1x32xf32>
    %add3A_271 = arith.addf %add3A_266, %concatenate3A_270 : vector<1x32xf32>
    %broadcast_in_dim3A_272 = arith.constant 0.000000e+00 : f32
    %broadcast_in_dim3A_273 = vector.broadcast %broadcast_in_dim3A_272 : f32 to vector<1x16xf32>
    %slice3A_274 = vector.extract_strided_slice %add3A_271 {offsets = [0, 0], sizes = [1, 16], strides = [1, 1]} : vector<1x32xf32> to vector<1x16xf32>
    %concatenate3A_275 = tpu.concatenate %broadcast_in_dim3A_273, %slice3A_274 in 1 : vector<1x16xf32>, vector<1x16xf32> -> vector<1x32xf32>
    %add3A_276 = arith.addf %add3A_271, %concatenate3A_275 : vector<1x32xf32>
    %sub3A_277 = arith.constant 1.000000e+00 : f32
    %sub3A_278 = vector.broadcast %sub3A_277 : f32 to vector<1x32xf32>
    %sub3A_279 = arith.subf %add3A_276, %sub3A_278 : vector<1x32xf32>
    %mul3A_280 = arith.constant 5.000000e-01 : f32
    %mul3A_281 = vector.broadcast %mul3A_280 : f32 to vector<1x32xf32>
    %mul3A_282 = arith.mulf %sub3A_279, %mul3A_281 : vector<1x32xf32>
    %floor3A = math.floor %mul3A_282 : vector<1x32xf32>
    %mul3A_283 = arith.constant 2.000000e+00 : f32
    %mul3A_284 = vector.broadcast %mul3A_283 : f32 to vector<1x32xf32>
    %mul3A_285 = arith.mulf %mul3A_284, %floor3A : vector<1x32xf32>
    %sub3A_286 = arith.subf %sub3A_279, %mul3A_285 : vector<1x32xf32>
    %gt3A_287 = arith.constant 0.000000e+00 : f32
    %gt3A_288 = vector.broadcast %gt3A_287 : f32 to vector<1x32xf32>
    %gt3A_289 = arith.cmpf ogt, %convert_element_type3A_251, %gt3A_288 : vector<1x32xf32>
    %jit3A_290 = arith.constant 9.900000e+01 : f32
    %broadcast_in_dim3A_291 = vector.broadcast %jit3A_290 : f32 to vector<1x32xf32>
    %select_n3A_292 = arith.select %gt3A_289, %min3A_245, %broadcast_in_dim3A_291 : vector<1x32xi1>, vector<1x32xf32>
    %broadcast_in_dim3A_293 = arith.constant 9.900000e+01 : f32
    %broadcast_in_dim3A_294 = vector.broadcast %broadcast_in_dim3A_293 : f32 to vector<1x1xf32>
    %slice3A_295 = vector.extract_strided_slice %select_n3A_292 {offsets = [0, 1], sizes = [1, 31], strides = [1, 1]} : vector<1x32xf32> to vector<1x31xf32>
    %concatenate3A_296 = tpu.concatenate %slice3A_295, %broadcast_in_dim3A_294 in 1 : vector<1x31xf32>, vector<1x1xf32> -> vector<1x32xf32>
    %broadcast_in_dim3A_297 = arith.constant 9.900000e+01 : f32
    %broadcast_in_dim3A_298 = vector.broadcast %broadcast_in_dim3A_297 : f32 to vector<1x1xf32>
    %slice3A_299 = vector.extract_strided_slice %concatenate3A_296 {offsets = [0, 1], sizes = [1, 31], strides = [1, 1]} : vector<1x32xf32> to vector<1x31xf32>
    %concatenate3A_300 = tpu.concatenate %slice3A_299, %broadcast_in_dim3A_298 in 1 : vector<1x31xf32>, vector<1x1xf32> -> vector<1x32xf32>
    %min3A_301 = arith.minimumf %concatenate3A_296, %concatenate3A_300 : vector<1x32xf32>
    %broadcast_in_dim3A_302 = arith.constant 9.900000e+01 : f32
    %broadcast_in_dim3A_303 = vector.broadcast %broadcast_in_dim3A_302 : f32 to vector<1x2xf32>
    %slice3A_304 = vector.extract_strided_slice %min3A_301 {offsets = [0, 2], sizes = [1, 30], strides = [1, 1]} : vector<1x32xf32> to vector<1x30xf32>
    %concatenate3A_305 = tpu.concatenate %slice3A_304, %broadcast_in_dim3A_303 in 1 : vector<1x30xf32>, vector<1x2xf32> -> vector<1x32xf32>
    %min3A_306 = arith.minimumf %min3A_301, %concatenate3A_305 : vector<1x32xf32>
    %broadcast_in_dim3A_307 = arith.constant 9.900000e+01 : f32
    %broadcast_in_dim3A_308 = vector.broadcast %broadcast_in_dim3A_307 : f32 to vector<1x4xf32>
    %slice3A_309 = vector.extract_strided_slice %min3A_306 {offsets = [0, 4], sizes = [1, 28], strides = [1, 1]} : vector<1x32xf32> to vector<1x28xf32>
    %concatenate3A_310 = tpu.concatenate %slice3A_309, %broadcast_in_dim3A_308 in 1 : vector<1x28xf32>, vector<1x4xf32> -> vector<1x32xf32>
    %min3A_311 = arith.minimumf %min3A_306, %concatenate3A_310 : vector<1x32xf32>
    %broadcast_in_dim3A_312 = arith.constant 9.900000e+01 : f32
    %broadcast_in_dim3A_313 = vector.broadcast %broadcast_in_dim3A_312 : f32 to vector<1x8xf32>
    %slice3A_314 = vector.extract_strided_slice %min3A_311 {offsets = [0, 8], sizes = [1, 24], strides = [1, 1]} : vector<1x32xf32> to vector<1x24xf32>
    %concatenate3A_315 = tpu.concatenate %slice3A_314, %broadcast_in_dim3A_313 in 1 : vector<1x24xf32>, vector<1x8xf32> -> vector<1x32xf32>
    %min3A_316 = arith.minimumf %min3A_311, %concatenate3A_315 : vector<1x32xf32>
    %broadcast_in_dim3A_317 = arith.constant 9.900000e+01 : f32
    %broadcast_in_dim3A_318 = vector.broadcast %broadcast_in_dim3A_317 : f32 to vector<1x16xf32>
    %slice3A_319 = vector.extract_strided_slice %min3A_316 {offsets = [0, 16], sizes = [1, 16], strides = [1, 1]} : vector<1x32xf32> to vector<1x16xf32>
    %concatenate3A_320 = tpu.concatenate %slice3A_319, %broadcast_in_dim3A_318 in 1 : vector<1x16xf32>, vector<1x16xf32> -> vector<1x32xf32>
    %min3A_321 = arith.minimumf %min3A_316, %concatenate3A_320 : vector<1x32xf32>
    %concatenate3A_322 = tpu.concatenate %min3A_245, %convert_element_type3A_251, %sub3A_286, %min3A_321, %convert_element_type3A_234 in 0 : vector<1x32xf32>, vector<1x32xf32>, vector<1x32xf32>, vector<1x32xf32>, vector<1x32xf32> -> vector<5x32xf32>
    %convert_element_type3A_323 = arith.fptosi %concatenate3A_322 : vector<5x32xf32> to vector<5x32xi32>
    %swap3A_324 = arith.constant 0 : index
    %swap3A_325 = arith.constant 0 : index
    %swap3A_326 = vector.load %arg4[%swap3A_324, %swap3A_325] : memref<5x32xi32, #tpu.memory_space<vmem>>, vector<5x32xi32>
    tpu.vector_store %arg4[%swap3A_324, %swap3A_325], %convert_element_type3A_323 {strides = array<i32>} : memref<5x32xi32, #tpu.memory_space<vmem>>, vector<5x32xi32>,
    return
  }
}

module attributes {stable_mosaic.version = 14 : i64} {
  func.func @_ffn_body(%arg0: i32, %arg1: memref<5x32xi32, #tpu.memory_space<smem>>, %arg2: memref<256x1024xf32, #tpu.memory_space<vmem>>, %arg3: memref<256x128xf32, #tpu.memory_space<vmem>>, %arg4: memref<8x2048x1024xf32, #tpu.memory_space<any>>, %arg5: memref<8x2048x1024xf32, #tpu.memory_space<any>>, %arg6: memref<8x1024x2048xf32, #tpu.memory_space<any>>, %arg7: memref<256x1024xf32, #tpu.memory_space<vmem>>, %arg8: memref<2048x1024xf32, #tpu.memory_space<vmem>>, %arg9: memref<2048x1024xf32, #tpu.memory_space<vmem>>, %arg10: memref<1024x2048xf32, #tpu.memory_space<vmem>>, %arg11: memref<2048x1024xf32, #tpu.memory_space<vmem>>, %arg12: memref<2048x1024xf32, #tpu.memory_space<vmem>>, %arg13: memref<1024x2048xf32, #tpu.memory_space<vmem>>, %arg14: memref<!tpu.dma_semaphore, #tpu.memory_space<semaphore_mem>>, %arg15: memref<!tpu.dma_semaphore, #tpu.memory_space<semaphore_mem>>) attributes {dimension_semantics = [#tpu.dimension_semantics<arbitrary>], iteration_bounds = array<i64: 24>, scalar_prefetch = 1 : i64, scratch_operands = 8 : i64, tpu.core_type = #tpu.core_type<tc>, window_params = [{transform_indices = @transform_0, window_bounds = array<i64: 256, 1024>}, {transform_indices = @transform_1, window_bounds = array<i64: 256, 128>}, {}, {}, {}, {transform_indices = @transform_5, window_bounds = array<i64: 256, 1024>}]} {
    %get3A = arith.constant 0 : index
    %get3A_0 = arith.index_cast %arg0 : i32 to index
    %get3A_1 = memref.load %arg1[%get3A, %get3A_0] : memref<5x32xi32, #tpu.memory_space<smem>>
    %get3A_2 = arith.constant 1 : index
    %get3A_3 = arith.index_cast %arg0 : i32 to index
    %get3A_4 = memref.load %arg1[%get3A_2, %get3A_3] : memref<5x32xi32, #tpu.memory_space<smem>>
    %get3A_5 = arith.constant 2 : index
    %get3A_6 = arith.index_cast %arg0 : i32 to index
    %get3A_7 = memref.load %arg1[%get3A_5, %get3A_6] : memref<5x32xi32, #tpu.memory_space<smem>>
    %get3A_8 = arith.constant 3 : index
    %get3A_9 = arith.index_cast %arg0 : i32 to index
    %get3A_10 = memref.load %arg1[%get3A_8, %get3A_9] : memref<5x32xi32, #tpu.memory_space<smem>>
    %get3A_11 = arith.constant 4 : index
    %get3A_12 = arith.index_cast %arg0 : i32 to index
    %get3A_13 = memref.load %arg1[%get3A_11, %get3A_12] : memref<5x32xi32, #tpu.memory_space<smem>>
    %eq3A = arith.constant 0 : i32
    %eq3A_14 = arith.cmpi eq, %arg0, %eq3A : i32
    %convert_element_type3A = arith.extui %eq3A_14 : i1 to i32
    %cond3A = arith.constant 0 : i32
    %cond3A_15 = arith.cmpi ne, %convert_element_type3A, %cond3A : i32
    scf.if %cond3A_15 {
      %dma_start3A = arith.constant 0 : i32
      %dma_start3A_47 = arith.constant 0 : i32
      %dma_start3A_48 = tpu.memref_slice %arg8[%dma_start3A, %dma_start3A_47] : memref<2048x1024xf32, #tpu.memory_space<vmem>> -> memref<1024x1024xf32, #tpu.memory_space<vmem>>
      %dma_start3A_49 = arith.constant 0 : i32
      %dma_start3A_50 = arith.constant 0 : i32
      %dma_start3A_51 = tpu.memref_slice %arg4[%get3A_1, %dma_start3A_49, %dma_start3A_50] : memref<8x2048x1024xf32, #tpu.memory_space<any>> -> memref<1x1024x1024xf32, #tpu.memory_space<any>>
      %dma_start3A_52 = tpu.memref_squeeze %dma_start3A_51 : memref<1x1024x1024xf32, #tpu.memory_space<any>> -> memref<1024x1024xf32, #tpu.memory_space<any>>
      tpu.enqueue_dma source(%dma_start3A_52 : memref<1024x1024xf32, #tpu.memory_space<any>>) target(%dma_start3A_48 : memref<1024x1024xf32, #tpu.memory_space<vmem>>) target_semaphore(%arg14 : memref<!tpu.dma_semaphore, #tpu.memory_space<semaphore_mem>>)
      %dma_start3A_53 = arith.constant 1024 : i32
      %dma_start3A_54 = arith.constant 0 : i32
      %dma_start3A_55 = tpu.memref_slice %arg8[%dma_start3A_53, %dma_start3A_54] : memref<2048x1024xf32, #tpu.memory_space<vmem>> -> memref<1024x1024xf32, #tpu.memory_space<vmem>>
      %dma_start3A_56 = arith.constant 1024 : i32
      %dma_start3A_57 = arith.constant 0 : i32
      %dma_start3A_58 = tpu.memref_slice %arg4[%get3A_1, %dma_start3A_56, %dma_start3A_57] : memref<8x2048x1024xf32, #tpu.memory_space<any>> -> memref<1x1024x1024xf32, #tpu.memory_space<any>>
      %dma_start3A_59 = tpu.memref_squeeze %dma_start3A_58 : memref<1x1024x1024xf32, #tpu.memory_space<any>> -> memref<1024x1024xf32, #tpu.memory_space<any>>
      tpu.enqueue_dma source(%dma_start3A_59 : memref<1024x1024xf32, #tpu.memory_space<any>>) target(%dma_start3A_55 : memref<1024x1024xf32, #tpu.memory_space<vmem>>) target_semaphore(%arg14 : memref<!tpu.dma_semaphore, #tpu.memory_space<semaphore_mem>>)
      %dma_start3A_60 = arith.constant 0 : i32
      %dma_start3A_61 = arith.constant 0 : i32
      %dma_start3A_62 = tpu.memref_slice %arg9[%dma_start3A_60, %dma_start3A_61] : memref<2048x1024xf32, #tpu.memory_space<vmem>> -> memref<1024x1024xf32, #tpu.memory_space<vmem>>
      %dma_start3A_63 = arith.constant 0 : i32
      %dma_start3A_64 = arith.constant 0 : i32
      %dma_start3A_65 = tpu.memref_slice %arg5[%get3A_1, %dma_start3A_63, %dma_start3A_64] : memref<8x2048x1024xf32, #tpu.memory_space<any>> -> memref<1x1024x1024xf32, #tpu.memory_space<any>>
      %dma_start3A_66 = tpu.memref_squeeze %dma_start3A_65 : memref<1x1024x1024xf32, #tpu.memory_space<any>> -> memref<1024x1024xf32, #tpu.memory_space<any>>
      tpu.enqueue_dma source(%dma_start3A_66 : memref<1024x1024xf32, #tpu.memory_space<any>>) target(%dma_start3A_62 : memref<1024x1024xf32, #tpu.memory_space<vmem>>) target_semaphore(%arg14 : memref<!tpu.dma_semaphore, #tpu.memory_space<semaphore_mem>>)
      %dma_start3A_67 = arith.constant 1024 : i32
      %dma_start3A_68 = arith.constant 0 : i32
      %dma_start3A_69 = tpu.memref_slice %arg9[%dma_start3A_67, %dma_start3A_68] : memref<2048x1024xf32, #tpu.memory_space<vmem>> -> memref<1024x1024xf32, #tpu.memory_space<vmem>>
      %dma_start3A_70 = arith.constant 1024 : i32
      %dma_start3A_71 = arith.constant 0 : i32
      %dma_start3A_72 = tpu.memref_slice %arg5[%get3A_1, %dma_start3A_70, %dma_start3A_71] : memref<8x2048x1024xf32, #tpu.memory_space<any>> -> memref<1x1024x1024xf32, #tpu.memory_space<any>>
      %dma_start3A_73 = tpu.memref_squeeze %dma_start3A_72 : memref<1x1024x1024xf32, #tpu.memory_space<any>> -> memref<1024x1024xf32, #tpu.memory_space<any>>
      tpu.enqueue_dma source(%dma_start3A_73 : memref<1024x1024xf32, #tpu.memory_space<any>>) target(%dma_start3A_69 : memref<1024x1024xf32, #tpu.memory_space<vmem>>) target_semaphore(%arg14 : memref<!tpu.dma_semaphore, #tpu.memory_space<semaphore_mem>>)
      %dma_start3A_74 = arith.constant 0 : i32
      %dma_start3A_75 = arith.constant 0 : i32
      %dma_start3A_76 = tpu.memref_slice %arg10[%dma_start3A_74, %dma_start3A_75] : memref<1024x2048xf32, #tpu.memory_space<vmem>> -> memref<512x2048xf32, #tpu.memory_space<vmem>>
      %dma_start3A_77 = arith.constant 0 : i32
      %dma_start3A_78 = arith.constant 0 : i32
      %dma_start3A_79 = tpu.memref_slice %arg6[%get3A_1, %dma_start3A_77, %dma_start3A_78] : memref<8x1024x2048xf32, #tpu.memory_space<any>> -> memref<1x512x2048xf32, #tpu.memory_space<any>>
      %dma_start3A_80 = tpu.memref_squeeze %dma_start3A_79 : memref<1x512x2048xf32, #tpu.memory_space<any>> -> memref<512x2048xf32, #tpu.memory_space<any>>
      tpu.enqueue_dma source(%dma_start3A_80 : memref<512x2048xf32, #tpu.memory_space<any>>) target(%dma_start3A_76 : memref<512x2048xf32, #tpu.memory_space<vmem>>) target_semaphore(%arg14 : memref<!tpu.dma_semaphore, #tpu.memory_space<semaphore_mem>>)
      %dma_start3A_81 = arith.constant 512 : i32
      %dma_start3A_82 = arith.constant 0 : i32
      %dma_start3A_83 = tpu.memref_slice %arg10[%dma_start3A_81, %dma_start3A_82] : memref<1024x2048xf32, #tpu.memory_space<vmem>> -> memref<512x2048xf32, #tpu.memory_space<vmem>>
      %dma_start3A_84 = arith.constant 512 : i32
      %dma_start3A_85 = arith.constant 0 : i32
      %dma_start3A_86 = tpu.memref_slice %arg6[%get3A_1, %dma_start3A_84, %dma_start3A_85] : memref<8x1024x2048xf32, #tpu.memory_space<any>> -> memref<1x512x2048xf32, #tpu.memory_space<any>>
      %dma_start3A_87 = tpu.memref_squeeze %dma_start3A_86 : memref<1x512x2048xf32, #tpu.memory_space<any>> -> memref<512x2048xf32, #tpu.memory_space<any>>
      tpu.enqueue_dma source(%dma_start3A_87 : memref<512x2048xf32, #tpu.memory_space<any>>) target(%dma_start3A_83 : memref<512x2048xf32, #tpu.memory_space<vmem>>) target_semaphore(%arg14 : memref<!tpu.dma_semaphore, #tpu.memory_space<semaphore_mem>>)
    } else {
    }
    %eq3A_16 = arith.constant 1 : i32
    %eq3A_17 = arith.cmpi eq, %get3A_4, %eq3A_16 : i32
    %eq3A_18 = arith.constant 0 : i32
    %eq3A_19 = arith.cmpi eq, %get3A_7, %eq3A_18 : i32
    %and3A = arith.andi %eq3A_17, %eq3A_19 : i1
    %convert_element_type3A_20 = arith.extui %and3A : i1 to i32
    %cond3A_21 = arith.constant 0 : i32
    %cond3A_22 = arith.cmpi ne, %convert_element_type3A_20, %cond3A_21 : i32
    scf.if %cond3A_22 {
      %dma_wait3A = arith.constant 0 : i32
      %dma_wait3A_47 = arith.constant 0 : i32
      %dma_wait3A_48 = tpu.memref_slice %arg8[%dma_wait3A, %dma_wait3A_47] : memref<2048x1024xf32, #tpu.memory_space<vmem>> -> memref<1024x1024xf32, #tpu.memory_space<vmem>>
      %dma_wait3A_49 = arith.constant 0 : i32
      %dma_wait3A_50 = arith.constant 0 : i32
      %dma_wait3A_51 = tpu.memref_slice %arg4[%get3A_1, %dma_wait3A_49, %dma_wait3A_50] : memref<8x2048x1024xf32, #tpu.memory_space<any>> -> memref<1x1024x1024xf32, #tpu.memory_space<any>>
      %dma_wait3A_52 = tpu.memref_squeeze %dma_wait3A_51 : memref<1x1024x1024xf32, #tpu.memory_space<any>> -> memref<1024x1024xf32, #tpu.memory_space<any>>
      tpu.wait_dma2 semaphore(%arg14 : memref<!tpu.dma_semaphore, #tpu.memory_space<semaphore_mem>>) src(%dma_wait3A_52 : memref<1024x1024xf32, #tpu.memory_space<any>>) dst(%dma_wait3A_48 : memref<1024x1024xf32, #tpu.memory_space<vmem>>)
      %dma_wait3A_53 = arith.constant 1024 : i32
      %dma_wait3A_54 = arith.constant 0 : i32
      %dma_wait3A_55 = tpu.memref_slice %arg8[%dma_wait3A_53, %dma_wait3A_54] : memref<2048x1024xf32, #tpu.memory_space<vmem>> -> memref<1024x1024xf32, #tpu.memory_space<vmem>>
      %dma_wait3A_56 = arith.constant 1024 : i32
      %dma_wait3A_57 = arith.constant 0 : i32
      %dma_wait3A_58 = tpu.memref_slice %arg4[%get3A_1, %dma_wait3A_56, %dma_wait3A_57] : memref<8x2048x1024xf32, #tpu.memory_space<any>> -> memref<1x1024x1024xf32, #tpu.memory_space<any>>
      %dma_wait3A_59 = tpu.memref_squeeze %dma_wait3A_58 : memref<1x1024x1024xf32, #tpu.memory_space<any>> -> memref<1024x1024xf32, #tpu.memory_space<any>>
      tpu.wait_dma2 semaphore(%arg14 : memref<!tpu.dma_semaphore, #tpu.memory_space<semaphore_mem>>) src(%dma_wait3A_59 : memref<1024x1024xf32, #tpu.memory_space<any>>) dst(%dma_wait3A_55 : memref<1024x1024xf32, #tpu.memory_space<vmem>>)
      %dma_wait3A_60 = arith.constant 0 : i32
      %dma_wait3A_61 = arith.constant 0 : i32
      %dma_wait3A_62 = tpu.memref_slice %arg9[%dma_wait3A_60, %dma_wait3A_61] : memref<2048x1024xf32, #tpu.memory_space<vmem>> -> memref<1024x1024xf32, #tpu.memory_space<vmem>>
      %dma_wait3A_63 = arith.constant 0 : i32
      %dma_wait3A_64 = arith.constant 0 : i32
      %dma_wait3A_65 = tpu.memref_slice %arg5[%get3A_1, %dma_wait3A_63, %dma_wait3A_64] : memref<8x2048x1024xf32, #tpu.memory_space<any>> -> memref<1x1024x1024xf32, #tpu.memory_space<any>>
      %dma_wait3A_66 = tpu.memref_squeeze %dma_wait3A_65 : memref<1x1024x1024xf32, #tpu.memory_space<any>> -> memref<1024x1024xf32, #tpu.memory_space<any>>
      tpu.wait_dma2 semaphore(%arg14 : memref<!tpu.dma_semaphore, #tpu.memory_space<semaphore_mem>>) src(%dma_wait3A_66 : memref<1024x1024xf32, #tpu.memory_space<any>>) dst(%dma_wait3A_62 : memref<1024x1024xf32, #tpu.memory_space<vmem>>)
      %dma_wait3A_67 = arith.constant 1024 : i32
      %dma_wait3A_68 = arith.constant 0 : i32
      %dma_wait3A_69 = tpu.memref_slice %arg9[%dma_wait3A_67, %dma_wait3A_68] : memref<2048x1024xf32, #tpu.memory_space<vmem>> -> memref<1024x1024xf32, #tpu.memory_space<vmem>>
      %dma_wait3A_70 = arith.constant 1024 : i32
      %dma_wait3A_71 = arith.constant 0 : i32
      %dma_wait3A_72 = tpu.memref_slice %arg5[%get3A_1, %dma_wait3A_70, %dma_wait3A_71] : memref<8x2048x1024xf32, #tpu.memory_space<any>> -> memref<1x1024x1024xf32, #tpu.memory_space<any>>
      %dma_wait3A_73 = tpu.memref_squeeze %dma_wait3A_72 : memref<1x1024x1024xf32, #tpu.memory_space<any>> -> memref<1024x1024xf32, #tpu.memory_space<any>>
      tpu.wait_dma2 semaphore(%arg14 : memref<!tpu.dma_semaphore, #tpu.memory_space<semaphore_mem>>) src(%dma_wait3A_73 : memref<1024x1024xf32, #tpu.memory_space<any>>) dst(%dma_wait3A_69 : memref<1024x1024xf32, #tpu.memory_space<vmem>>)
      %dma_wait3A_74 = arith.constant 0 : i32
      %dma_wait3A_75 = arith.constant 0 : i32
      %dma_wait3A_76 = tpu.memref_slice %arg10[%dma_wait3A_74, %dma_wait3A_75] : memref<1024x2048xf32, #tpu.memory_space<vmem>> -> memref<512x2048xf32, #tpu.memory_space<vmem>>
      %dma_wait3A_77 = arith.constant 0 : i32
      %dma_wait3A_78 = arith.constant 0 : i32
      %dma_wait3A_79 = tpu.memref_slice %arg6[%get3A_1, %dma_wait3A_77, %dma_wait3A_78] : memref<8x1024x2048xf32, #tpu.memory_space<any>> -> memref<1x512x2048xf32, #tpu.memory_space<any>>
      %dma_wait3A_80 = tpu.memref_squeeze %dma_wait3A_79 : memref<1x512x2048xf32, #tpu.memory_space<any>> -> memref<512x2048xf32, #tpu.memory_space<any>>
      tpu.wait_dma2 semaphore(%arg14 : memref<!tpu.dma_semaphore, #tpu.memory_space<semaphore_mem>>) src(%dma_wait3A_80 : memref<512x2048xf32, #tpu.memory_space<any>>) dst(%dma_wait3A_76 : memref<512x2048xf32, #tpu.memory_space<vmem>>)
      %dma_wait3A_81 = arith.constant 512 : i32
      %dma_wait3A_82 = arith.constant 0 : i32
      %dma_wait3A_83 = tpu.memref_slice %arg10[%dma_wait3A_81, %dma_wait3A_82] : memref<1024x2048xf32, #tpu.memory_space<vmem>> -> memref<512x2048xf32, #tpu.memory_space<vmem>>
      %dma_wait3A_84 = arith.constant 512 : i32
      %dma_wait3A_85 = arith.constant 0 : i32
      %dma_wait3A_86 = tpu.memref_slice %arg6[%get3A_1, %dma_wait3A_84, %dma_wait3A_85] : memref<8x1024x2048xf32, #tpu.memory_space<any>> -> memref<1x512x2048xf32, #tpu.memory_space<any>>
      %dma_wait3A_87 = tpu.memref_squeeze %dma_wait3A_86 : memref<1x512x2048xf32, #tpu.memory_space<any>> -> memref<512x2048xf32, #tpu.memory_space<any>>
      tpu.wait_dma2 semaphore(%arg14 : memref<!tpu.dma_semaphore, #tpu.memory_space<semaphore_mem>>) src(%dma_wait3A_87 : memref<512x2048xf32, #tpu.memory_space<any>>) dst(%dma_wait3A_83 : memref<512x2048xf32, #tpu.memory_space<vmem>>)
      %lt3A = arith.constant 8 : i32
      %lt3A_88 = arith.cmpi slt, %get3A_10, %lt3A : i32
      %convert_element_type3A_89 = arith.extui %lt3A_88 : i1 to i32
      %cond3A_90 = arith.constant 0 : i32
      %cond3A_91 = arith.cmpi ne, %convert_element_type3A_89, %cond3A_90 : i32
      scf.if %cond3A_91 {
        %dma_start3A = arith.constant 0 : i32
        %dma_start3A_92 = arith.constant 0 : i32
        %dma_start3A_93 = tpu.memref_slice %arg11[%dma_start3A, %dma_start3A_92] : memref<2048x1024xf32, #tpu.memory_space<vmem>> -> memref<1024x1024xf32, #tpu.memory_space<vmem>>
        %dma_start3A_94 = arith.constant 0 : i32
        %dma_start3A_95 = arith.constant 0 : i32
        %dma_start3A_96 = tpu.memref_slice %arg4[%get3A_10, %dma_start3A_94, %dma_start3A_95] : memref<8x2048x1024xf32, #tpu.memory_space<any>> -> memref<1x1024x1024xf32, #tpu.memory_space<any>>
        %dma_start3A_97 = tpu.memref_squeeze %dma_start3A_96 : memref<1x1024x1024xf32, #tpu.memory_space<any>> -> memref<1024x1024xf32, #tpu.memory_space<any>>
        tpu.enqueue_dma source(%dma_start3A_97 : memref<1024x1024xf32, #tpu.memory_space<any>>) target(%dma_start3A_93 : memref<1024x1024xf32, #tpu.memory_space<vmem>>) target_semaphore(%arg15 : memref<!tpu.dma_semaphore, #tpu.memory_space<semaphore_mem>>)
        %dma_start3A_98 = arith.constant 1024 : i32
        %dma_start3A_99 = arith.constant 0 : i32
        %dma_start3A_100 = tpu.memref_slice %arg11[%dma_start3A_98, %dma_start3A_99] : memref<2048x1024xf32, #tpu.memory_space<vmem>> -> memref<1024x1024xf32, #tpu.memory_space<vmem>>
        %dma_start3A_101 = arith.constant 1024 : i32
        %dma_start3A_102 = arith.constant 0 : i32
        %dma_start3A_103 = tpu.memref_slice %arg4[%get3A_10, %dma_start3A_101, %dma_start3A_102] : memref<8x2048x1024xf32, #tpu.memory_space<any>> -> memref<1x1024x1024xf32, #tpu.memory_space<any>>
        %dma_start3A_104 = tpu.memref_squeeze %dma_start3A_103 : memref<1x1024x1024xf32, #tpu.memory_space<any>> -> memref<1024x1024xf32, #tpu.memory_space<any>>
        tpu.enqueue_dma source(%dma_start3A_104 : memref<1024x1024xf32, #tpu.memory_space<any>>) target(%dma_start3A_100 : memref<1024x1024xf32, #tpu.memory_space<vmem>>) target_semaphore(%arg15 : memref<!tpu.dma_semaphore, #tpu.memory_space<semaphore_mem>>)
        %dma_start3A_105 = arith.constant 0 : i32
        %dma_start3A_106 = arith.constant 0 : i32
        %dma_start3A_107 = tpu.memref_slice %arg12[%dma_start3A_105, %dma_start3A_106] : memref<2048x1024xf32, #tpu.memory_space<vmem>> -> memref<1024x1024xf32, #tpu.memory_space<vmem>>
        %dma_start3A_108 = arith.constant 0 : i32
        %dma_start3A_109 = arith.constant 0 : i32
        %dma_start3A_110 = tpu.memref_slice %arg5[%get3A_10, %dma_start3A_108, %dma_start3A_109] : memref<8x2048x1024xf32, #tpu.memory_space<any>> -> memref<1x1024x1024xf32, #tpu.memory_space<any>>
        %dma_start3A_111 = tpu.memref_squeeze %dma_start3A_110 : memref<1x1024x1024xf32, #tpu.memory_space<any>> -> memref<1024x1024xf32, #tpu.memory_space<any>>
        tpu.enqueue_dma source(%dma_start3A_111 : memref<1024x1024xf32, #tpu.memory_space<any>>) target(%dma_start3A_107 : memref<1024x1024xf32, #tpu.memory_space<vmem>>) target_semaphore(%arg15 : memref<!tpu.dma_semaphore, #tpu.memory_space<semaphore_mem>>)
        %dma_start3A_112 = arith.constant 1024 : i32
        %dma_start3A_113 = arith.constant 0 : i32
        %dma_start3A_114 = tpu.memref_slice %arg12[%dma_start3A_112, %dma_start3A_113] : memref<2048x1024xf32, #tpu.memory_space<vmem>> -> memref<1024x1024xf32, #tpu.memory_space<vmem>>
        %dma_start3A_115 = arith.constant 1024 : i32
        %dma_start3A_116 = arith.constant 0 : i32
        %dma_start3A_117 = tpu.memref_slice %arg5[%get3A_10, %dma_start3A_115, %dma_start3A_116] : memref<8x2048x1024xf32, #tpu.memory_space<any>> -> memref<1x1024x1024xf32, #tpu.memory_space<any>>
        %dma_start3A_118 = tpu.memref_squeeze %dma_start3A_117 : memref<1x1024x1024xf32, #tpu.memory_space<any>> -> memref<1024x1024xf32, #tpu.memory_space<any>>
        tpu.enqueue_dma source(%dma_start3A_118 : memref<1024x1024xf32, #tpu.memory_space<any>>) target(%dma_start3A_114 : memref<1024x1024xf32, #tpu.memory_space<vmem>>) target_semaphore(%arg15 : memref<!tpu.dma_semaphore, #tpu.memory_space<semaphore_mem>>)
        %dma_start3A_119 = arith.constant 0 : i32
        %dma_start3A_120 = arith.constant 0 : i32
        %dma_start3A_121 = tpu.memref_slice %arg13[%dma_start3A_119, %dma_start3A_120] : memref<1024x2048xf32, #tpu.memory_space<vmem>> -> memref<512x2048xf32, #tpu.memory_space<vmem>>
        %dma_start3A_122 = arith.constant 0 : i32
        %dma_start3A_123 = arith.constant 0 : i32
        %dma_start3A_124 = tpu.memref_slice %arg6[%get3A_10, %dma_start3A_122, %dma_start3A_123] : memref<8x1024x2048xf32, #tpu.memory_space<any>> -> memref<1x512x2048xf32, #tpu.memory_space<any>>
        %dma_start3A_125 = tpu.memref_squeeze %dma_start3A_124 : memref<1x512x2048xf32, #tpu.memory_space<any>> -> memref<512x2048xf32, #tpu.memory_space<any>>
        tpu.enqueue_dma source(%dma_start3A_125 : memref<512x2048xf32, #tpu.memory_space<any>>) target(%dma_start3A_121 : memref<512x2048xf32, #tpu.memory_space<vmem>>) target_semaphore(%arg15 : memref<!tpu.dma_semaphore, #tpu.memory_space<semaphore_mem>>)
        %dma_start3A_126 = arith.constant 512 : i32
        %dma_start3A_127 = arith.constant 0 : i32
        %dma_start3A_128 = tpu.memref_slice %arg13[%dma_start3A_126, %dma_start3A_127] : memref<1024x2048xf32, #tpu.memory_space<vmem>> -> memref<512x2048xf32, #tpu.memory_space<vmem>>
        %dma_start3A_129 = arith.constant 512 : i32
        %dma_start3A_130 = arith.constant 0 : i32
        %dma_start3A_131 = tpu.memref_slice %arg6[%get3A_10, %dma_start3A_129, %dma_start3A_130] : memref<8x1024x2048xf32, #tpu.memory_space<any>> -> memref<1x512x2048xf32, #tpu.memory_space<any>>
        %dma_start3A_132 = tpu.memref_squeeze %dma_start3A_131 : memref<1x512x2048xf32, #tpu.memory_space<any>> -> memref<512x2048xf32, #tpu.memory_space<any>>
        tpu.enqueue_dma source(%dma_start3A_132 : memref<512x2048xf32, #tpu.memory_space<any>>) target(%dma_start3A_128 : memref<512x2048xf32, #tpu.memory_space<vmem>>) target_semaphore(%arg15 : memref<!tpu.dma_semaphore, #tpu.memory_space<semaphore_mem>>)
      } else {
      }
    } else {
    }
    %eq3A_23 = arith.constant 1 : i32
    %eq3A_24 = arith.cmpi eq, %get3A_4, %eq3A_23 : i32
    %eq3A_25 = arith.constant 1 : i32
    %eq3A_26 = arith.cmpi eq, %get3A_7, %eq3A_25 : i32
    %and3A_27 = arith.andi %eq3A_24, %eq3A_26 : i1
    %convert_element_type3A_28 = arith.extui %and3A_27 : i1 to i32
    %cond3A_29 = arith.constant 0 : i32
    %cond3A_30 = arith.cmpi ne, %convert_element_type3A_28, %cond3A_29 : i32
    scf.if %cond3A_30 {
      %dma_wait3A = arith.constant 0 : i32
      %dma_wait3A_47 = arith.constant 0 : i32
      %dma_wait3A_48 = tpu.memref_slice %arg11[%dma_wait3A, %dma_wait3A_47] : memref<2048x1024xf32, #tpu.memory_space<vmem>> -> memref<1024x1024xf32, #tpu.memory_space<vmem>>
      %dma_wait3A_49 = arith.constant 0 : i32
      %dma_wait3A_50 = arith.constant 0 : i32
      %dma_wait3A_51 = tpu.memref_slice %arg4[%get3A_1, %dma_wait3A_49, %dma_wait3A_50] : memref<8x2048x1024xf32, #tpu.memory_space<any>> -> memref<1x1024x1024xf32, #tpu.memory_space<any>>
      %dma_wait3A_52 = tpu.memref_squeeze %dma_wait3A_51 : memref<1x1024x1024xf32, #tpu.memory_space<any>> -> memref<1024x1024xf32, #tpu.memory_space<any>>
      tpu.wait_dma2 semaphore(%arg15 : memref<!tpu.dma_semaphore, #tpu.memory_space<semaphore_mem>>) src(%dma_wait3A_52 : memref<1024x1024xf32, #tpu.memory_space<any>>) dst(%dma_wait3A_48 : memref<1024x1024xf32, #tpu.memory_space<vmem>>)
      %dma_wait3A_53 = arith.constant 1024 : i32
      %dma_wait3A_54 = arith.constant 0 : i32
      %dma_wait3A_55 = tpu.memref_slice %arg11[%dma_wait3A_53, %dma_wait3A_54] : memref<2048x1024xf32, #tpu.memory_space<vmem>> -> memref<1024x1024xf32, #tpu.memory_space<vmem>>
      %dma_wait3A_56 = arith.constant 1024 : i32
      %dma_wait3A_57 = arith.constant 0 : i32
      %dma_wait3A_58 = tpu.memref_slice %arg4[%get3A_1, %dma_wait3A_56, %dma_wait3A_57] : memref<8x2048x1024xf32, #tpu.memory_space<any>> -> memref<1x1024x1024xf32, #tpu.memory_space<any>>
      %dma_wait3A_59 = tpu.memref_squeeze %dma_wait3A_58 : memref<1x1024x1024xf32, #tpu.memory_space<any>> -> memref<1024x1024xf32, #tpu.memory_space<any>>
      tpu.wait_dma2 semaphore(%arg15 : memref<!tpu.dma_semaphore, #tpu.memory_space<semaphore_mem>>) src(%dma_wait3A_59 : memref<1024x1024xf32, #tpu.memory_space<any>>) dst(%dma_wait3A_55 : memref<1024x1024xf32, #tpu.memory_space<vmem>>)
      %dma_wait3A_60 = arith.constant 0 : i32
      %dma_wait3A_61 = arith.constant 0 : i32
      %dma_wait3A_62 = tpu.memref_slice %arg12[%dma_wait3A_60, %dma_wait3A_61] : memref<2048x1024xf32, #tpu.memory_space<vmem>> -> memref<1024x1024xf32, #tpu.memory_space<vmem>>
      %dma_wait3A_63 = arith.constant 0 : i32
      %dma_wait3A_64 = arith.constant 0 : i32
      %dma_wait3A_65 = tpu.memref_slice %arg5[%get3A_1, %dma_wait3A_63, %dma_wait3A_64] : memref<8x2048x1024xf32, #tpu.memory_space<any>> -> memref<1x1024x1024xf32, #tpu.memory_space<any>>
      %dma_wait3A_66 = tpu.memref_squeeze %dma_wait3A_65 : memref<1x1024x1024xf32, #tpu.memory_space<any>> -> memref<1024x1024xf32, #tpu.memory_space<any>>
      tpu.wait_dma2 semaphore(%arg15 : memref<!tpu.dma_semaphore, #tpu.memory_space<semaphore_mem>>) src(%dma_wait3A_66 : memref<1024x1024xf32, #tpu.memory_space<any>>) dst(%dma_wait3A_62 : memref<1024x1024xf32, #tpu.memory_space<vmem>>)
      %dma_wait3A_67 = arith.constant 1024 : i32
      %dma_wait3A_68 = arith.constant 0 : i32
      %dma_wait3A_69 = tpu.memref_slice %arg12[%dma_wait3A_67, %dma_wait3A_68] : memref<2048x1024xf32, #tpu.memory_space<vmem>> -> memref<1024x1024xf32, #tpu.memory_space<vmem>>
      %dma_wait3A_70 = arith.constant 1024 : i32
      %dma_wait3A_71 = arith.constant 0 : i32
      %dma_wait3A_72 = tpu.memref_slice %arg5[%get3A_1, %dma_wait3A_70, %dma_wait3A_71] : memref<8x2048x1024xf32, #tpu.memory_space<any>> -> memref<1x1024x1024xf32, #tpu.memory_space<any>>
      %dma_wait3A_73 = tpu.memref_squeeze %dma_wait3A_72 : memref<1x1024x1024xf32, #tpu.memory_space<any>> -> memref<1024x1024xf32, #tpu.memory_space<any>>
      tpu.wait_dma2 semaphore(%arg15 : memref<!tpu.dma_semaphore, #tpu.memory_space<semaphore_mem>>) src(%dma_wait3A_73 : memref<1024x1024xf32, #tpu.memory_space<any>>) dst(%dma_wait3A_69 : memref<1024x1024xf32, #tpu.memory_space<vmem>>)
      %dma_wait3A_74 = arith.constant 0 : i32
      %dma_wait3A_75 = arith.constant 0 : i32
      %dma_wait3A_76 = tpu.memref_slice %arg13[%dma_wait3A_74, %dma_wait3A_75] : memref<1024x2048xf32, #tpu.memory_space<vmem>> -> memref<512x2048xf32, #tpu.memory_space<vmem>>
      %dma_wait3A_77 = arith.constant 0 : i32
      %dma_wait3A_78 = arith.constant 0 : i32
      %dma_wait3A_79 = tpu.memref_slice %arg6[%get3A_1, %dma_wait3A_77, %dma_wait3A_78] : memref<8x1024x2048xf32, #tpu.memory_space<any>> -> memref<1x512x2048xf32, #tpu.memory_space<any>>
      %dma_wait3A_80 = tpu.memref_squeeze %dma_wait3A_79 : memref<1x512x2048xf32, #tpu.memory_space<any>> -> memref<512x2048xf32, #tpu.memory_space<any>>
      tpu.wait_dma2 semaphore(%arg15 : memref<!tpu.dma_semaphore, #tpu.memory_space<semaphore_mem>>) src(%dma_wait3A_80 : memref<512x2048xf32, #tpu.memory_space<any>>) dst(%dma_wait3A_76 : memref<512x2048xf32, #tpu.memory_space<vmem>>)
      %dma_wait3A_81 = arith.constant 512 : i32
      %dma_wait3A_82 = arith.constant 0 : i32
      %dma_wait3A_83 = tpu.memref_slice %arg13[%dma_wait3A_81, %dma_wait3A_82] : memref<1024x2048xf32, #tpu.memory_space<vmem>> -> memref<512x2048xf32, #tpu.memory_space<vmem>>
      %dma_wait3A_84 = arith.constant 512 : i32
      %dma_wait3A_85 = arith.constant 0 : i32
      %dma_wait3A_86 = tpu.memref_slice %arg6[%get3A_1, %dma_wait3A_84, %dma_wait3A_85] : memref<8x1024x2048xf32, #tpu.memory_space<any>> -> memref<1x512x2048xf32, #tpu.memory_space<any>>
      %dma_wait3A_87 = tpu.memref_squeeze %dma_wait3A_86 : memref<1x512x2048xf32, #tpu.memory_space<any>> -> memref<512x2048xf32, #tpu.memory_space<any>>
      tpu.wait_dma2 semaphore(%arg15 : memref<!tpu.dma_semaphore, #tpu.memory_space<semaphore_mem>>) src(%dma_wait3A_87 : memref<512x2048xf32, #tpu.memory_space<any>>) dst(%dma_wait3A_83 : memref<512x2048xf32, #tpu.memory_space<vmem>>)
      %lt3A = arith.constant 8 : i32
      %lt3A_88 = arith.cmpi slt, %get3A_10, %lt3A : i32
      %convert_element_type3A_89 = arith.extui %lt3A_88 : i1 to i32
      %cond3A_90 = arith.constant 0 : i32
      %cond3A_91 = arith.cmpi ne, %convert_element_type3A_89, %cond3A_90 : i32
      scf.if %cond3A_91 {
        %dma_start3A = arith.constant 0 : i32
        %dma_start3A_92 = arith.constant 0 : i32
        %dma_start3A_93 = tpu.memref_slice %arg8[%dma_start3A, %dma_start3A_92] : memref<2048x1024xf32, #tpu.memory_space<vmem>> -> memref<1024x1024xf32, #tpu.memory_space<vmem>>
        %dma_start3A_94 = arith.constant 0 : i32
        %dma_start3A_95 = arith.constant 0 : i32
        %dma_start3A_96 = tpu.memref_slice %arg4[%get3A_10, %dma_start3A_94, %dma_start3A_95] : memref<8x2048x1024xf32, #tpu.memory_space<any>> -> memref<1x1024x1024xf32, #tpu.memory_space<any>>
        %dma_start3A_97 = tpu.memref_squeeze %dma_start3A_96 : memref<1x1024x1024xf32, #tpu.memory_space<any>> -> memref<1024x1024xf32, #tpu.memory_space<any>>
        tpu.enqueue_dma source(%dma_start3A_97 : memref<1024x1024xf32, #tpu.memory_space<any>>) target(%dma_start3A_93 : memref<1024x1024xf32, #tpu.memory_space<vmem>>) target_semaphore(%arg14 : memref<!tpu.dma_semaphore, #tpu.memory_space<semaphore_mem>>)
        %dma_start3A_98 = arith.constant 1024 : i32
        %dma_start3A_99 = arith.constant 0 : i32
        %dma_start3A_100 = tpu.memref_slice %arg8[%dma_start3A_98, %dma_start3A_99] : memref<2048x1024xf32, #tpu.memory_space<vmem>> -> memref<1024x1024xf32, #tpu.memory_space<vmem>>
        %dma_start3A_101 = arith.constant 1024 : i32
        %dma_start3A_102 = arith.constant 0 : i32
        %dma_start3A_103 = tpu.memref_slice %arg4[%get3A_10, %dma_start3A_101, %dma_start3A_102] : memref<8x2048x1024xf32, #tpu.memory_space<any>> -> memref<1x1024x1024xf32, #tpu.memory_space<any>>
        %dma_start3A_104 = tpu.memref_squeeze %dma_start3A_103 : memref<1x1024x1024xf32, #tpu.memory_space<any>> -> memref<1024x1024xf32, #tpu.memory_space<any>>
        tpu.enqueue_dma source(%dma_start3A_104 : memref<1024x1024xf32, #tpu.memory_space<any>>) target(%dma_start3A_100 : memref<1024x1024xf32, #tpu.memory_space<vmem>>) target_semaphore(%arg14 : memref<!tpu.dma_semaphore, #tpu.memory_space<semaphore_mem>>)
        %dma_start3A_105 = arith.constant 0 : i32
        %dma_start3A_106 = arith.constant 0 : i32
        %dma_start3A_107 = tpu.memref_slice %arg9[%dma_start3A_105, %dma_start3A_106] : memref<2048x1024xf32, #tpu.memory_space<vmem>> -> memref<1024x1024xf32, #tpu.memory_space<vmem>>
        %dma_start3A_108 = arith.constant 0 : i32
        %dma_start3A_109 = arith.constant 0 : i32
        %dma_start3A_110 = tpu.memref_slice %arg5[%get3A_10, %dma_start3A_108, %dma_start3A_109] : memref<8x2048x1024xf32, #tpu.memory_space<any>> -> memref<1x1024x1024xf32, #tpu.memory_space<any>>
        %dma_start3A_111 = tpu.memref_squeeze %dma_start3A_110 : memref<1x1024x1024xf32, #tpu.memory_space<any>> -> memref<1024x1024xf32, #tpu.memory_space<any>>
        tpu.enqueue_dma source(%dma_start3A_111 : memref<1024x1024xf32, #tpu.memory_space<any>>) target(%dma_start3A_107 : memref<1024x1024xf32, #tpu.memory_space<vmem>>) target_semaphore(%arg14 : memref<!tpu.dma_semaphore, #tpu.memory_space<semaphore_mem>>)
        %dma_start3A_112 = arith.constant 1024 : i32
        %dma_start3A_113 = arith.constant 0 : i32
        %dma_start3A_114 = tpu.memref_slice %arg9[%dma_start3A_112, %dma_start3A_113] : memref<2048x1024xf32, #tpu.memory_space<vmem>> -> memref<1024x1024xf32, #tpu.memory_space<vmem>>
        %dma_start3A_115 = arith.constant 1024 : i32
        %dma_start3A_116 = arith.constant 0 : i32
        %dma_start3A_117 = tpu.memref_slice %arg5[%get3A_10, %dma_start3A_115, %dma_start3A_116] : memref<8x2048x1024xf32, #tpu.memory_space<any>> -> memref<1x1024x1024xf32, #tpu.memory_space<any>>
        %dma_start3A_118 = tpu.memref_squeeze %dma_start3A_117 : memref<1x1024x1024xf32, #tpu.memory_space<any>> -> memref<1024x1024xf32, #tpu.memory_space<any>>
        tpu.enqueue_dma source(%dma_start3A_118 : memref<1024x1024xf32, #tpu.memory_space<any>>) target(%dma_start3A_114 : memref<1024x1024xf32, #tpu.memory_space<vmem>>) target_semaphore(%arg14 : memref<!tpu.dma_semaphore, #tpu.memory_space<semaphore_mem>>)
        %dma_start3A_119 = arith.constant 0 : i32
        %dma_start3A_120 = arith.constant 0 : i32
        %dma_start3A_121 = tpu.memref_slice %arg10[%dma_start3A_119, %dma_start3A_120] : memref<1024x2048xf32, #tpu.memory_space<vmem>> -> memref<512x2048xf32, #tpu.memory_space<vmem>>
        %dma_start3A_122 = arith.constant 0 : i32
        %dma_start3A_123 = arith.constant 0 : i32
        %dma_start3A_124 = tpu.memref_slice %arg6[%get3A_10, %dma_start3A_122, %dma_start3A_123] : memref<8x1024x2048xf32, #tpu.memory_space<any>> -> memref<1x512x2048xf32, #tpu.memory_space<any>>
        %dma_start3A_125 = tpu.memref_squeeze %dma_start3A_124 : memref<1x512x2048xf32, #tpu.memory_space<any>> -> memref<512x2048xf32, #tpu.memory_space<any>>
        tpu.enqueue_dma source(%dma_start3A_125 : memref<512x2048xf32, #tpu.memory_space<any>>) target(%dma_start3A_121 : memref<512x2048xf32, #tpu.memory_space<vmem>>) target_semaphore(%arg14 : memref<!tpu.dma_semaphore, #tpu.memory_space<semaphore_mem>>)
        %dma_start3A_126 = arith.constant 512 : i32
        %dma_start3A_127 = arith.constant 0 : i32
        %dma_start3A_128 = tpu.memref_slice %arg10[%dma_start3A_126, %dma_start3A_127] : memref<1024x2048xf32, #tpu.memory_space<vmem>> -> memref<512x2048xf32, #tpu.memory_space<vmem>>
        %dma_start3A_129 = arith.constant 512 : i32
        %dma_start3A_130 = arith.constant 0 : i32
        %dma_start3A_131 = tpu.memref_slice %arg6[%get3A_10, %dma_start3A_129, %dma_start3A_130] : memref<8x1024x2048xf32, #tpu.memory_space<any>> -> memref<1x512x2048xf32, #tpu.memory_space<any>>
        %dma_start3A_132 = tpu.memref_squeeze %dma_start3A_131 : memref<1x512x2048xf32, #tpu.memory_space<any>> -> memref<512x2048xf32, #tpu.memory_space<any>>
        tpu.enqueue_dma source(%dma_start3A_132 : memref<512x2048xf32, #tpu.memory_space<any>>) target(%dma_start3A_128 : memref<512x2048xf32, #tpu.memory_space<vmem>>) target_semaphore(%arg14 : memref<!tpu.dma_semaphore, #tpu.memory_space<semaphore_mem>>)
      } else {
      }
    } else {
    }
    %eq3A_31 = arith.constant 0 : i32
    %eq3A_32 = arith.cmpi eq, %get3A_13, %eq3A_31 : i32
    %eq3A_33 = arith.constant 0 : i32
    %eq3A_34 = arith.cmpi eq, %get3A_7, %eq3A_33 : i32
    %and3A_35 = arith.andi %eq3A_32, %eq3A_34 : i1
    %convert_element_type3A_36 = arith.extui %and3A_35 : i1 to i32
    %cond3A_37 = arith.constant 0 : i32
    %cond3A_38 = arith.cmpi ne, %convert_element_type3A_36, %cond3A_37 : i32
    scf.if %cond3A_38 {
      %get3A_47 = arith.constant 0 : index
      %get3A_48 = arith.constant 0 : index
      %get3A_49 = vector.load %arg2[%get3A_47, %get3A_48] : memref<256x1024xf32, #tpu.memory_space<vmem>>, vector<256x1024xf32>
      %get3A_50 = arith.constant 0 : index
      %get3A_51 = arith.constant 0 : index
      %get3A_52 = vector.load %arg8[%get3A_50, %get3A_51] : memref<2048x1024xf32, #tpu.memory_space<vmem>>, vector<2048x1024xf32>
      %dot_general3A = arith.constant dense<0.000000e+00> : vector<256x2048xf32>
      %dot_general3A_53 = tpu.matmul %get3A_49, %get3A_52, %dot_general3A {dimension_numbers = #tpu.dot_dimension_numbers<[1], [1], [0], [0], [0, 0, 1, 0], [], []>, transpose_lhs_hint = false} : vector<256x1024xf32>, vector<2048x1024xf32>, vector<256x2048xf32> -> vector<256x2048xf32>
      %get3A_54 = arith.constant 0 : index
      %get3A_55 = arith.constant 0 : index
      %get3A_56 = vector.load %arg9[%get3A_54, %get3A_55] : memref<2048x1024xf32, #tpu.memory_space<vmem>>, vector<2048x1024xf32>
      %dot_general3A_57 = arith.constant dense<0.000000e+00> : vector<256x2048xf32>
      %dot_general3A_58 = tpu.matmul %get3A_49, %get3A_56, %dot_general3A_57 {dimension_numbers = #tpu.dot_dimension_numbers<[1], [1], [0], [0], [0, 0, 1, 0], [], []>, transpose_lhs_hint = false} : vector<256x1024xf32>, vector<2048x1024xf32>, vector<256x2048xf32> -> vector<256x2048xf32>
      %neg3A = arith.constant 0.000000e+00 : f32
      %neg3A_59 = vector.broadcast %neg3A : f32 to vector<256x2048xf32>
      %neg3A_60 = arith.subf %neg3A_59, %dot_general3A_53 : vector<256x2048xf32>
      %exp3A = math.exp %neg3A_60 : vector<256x2048xf32>
      %add3A = arith.constant 1.000000e+00 : f32
      %add3A_61 = vector.broadcast %add3A : f32 to vector<256x2048xf32>
      %add3A_62 = arith.addf %add3A_61, %exp3A : vector<256x2048xf32>
      %div3A = arith.constant 1.000000e+00 : f32
      %div3A_63 = vector.broadcast %div3A : f32 to vector<256x2048xf32>
      %div3A_64 = arith.divf %div3A_63, %add3A_62 : vector<256x2048xf32>
      %mul3A = arith.mulf %dot_general3A_53, %div3A_64 : vector<256x2048xf32>
      %mul3A_65 = arith.mulf %mul3A, %dot_general3A_58 : vector<256x2048xf32>
      %get3A_66 = arith.constant 0 : index
      %get3A_67 = arith.constant 0 : index
      %get3A_68 = vector.load %arg10[%get3A_66, %get3A_67] : memref<1024x2048xf32, #tpu.memory_space<vmem>>, vector<1024x2048xf32>
      %dot_general3A_69 = arith.constant dense<0.000000e+00> : vector<256x1024xf32>
      %dot_general3A_70 = tpu.matmul %mul3A_65, %get3A_68, %dot_general3A_69 {dimension_numbers = #tpu.dot_dimension_numbers<[1], [1], [0], [0], [0, 0, 1, 0], [], []>, transpose_lhs_hint = false} : vector<256x2048xf32>, vector<1024x2048xf32>, vector<256x1024xf32> -> vector<256x1024xf32>
      %get3A_71 = arith.constant 0 : index
      %get3A_72 = arith.constant 0 : index
      %get3A_73 = vector.load %arg3[%get3A_71, %get3A_72] : memref<256x128xf32, #tpu.memory_space<vmem>>, vector<256x1xf32>
      %mul3A_74 = vector.broadcast %get3A_73 : vector<256x1xf32> to vector<256x1024xf32>
      %mul3A_75 = arith.mulf %dot_general3A_70, %mul3A_74 : vector<256x1024xf32>
      %swap3A = arith.constant 0 : index
      %swap3A_76 = arith.constant 0 : index
      %swap3A_77 = vector.load %arg7[%swap3A, %swap3A_76] : memref<256x1024xf32, #tpu.memory_space<vmem>>, vector<256x1024xf32>
      tpu.vector_store %arg7[%swap3A, %swap3A_76], %mul3A_75 {strides = array<i32>} : memref<256x1024xf32, #tpu.memory_space<vmem>>, vector<256x1024xf32>,
    } else {
    }
    %eq3A_39 = arith.constant 0 : i32
    %eq3A_40 = arith.cmpi eq, %get3A_13, %eq3A_39 : i32
    %eq3A_41 = arith.constant 1 : i32
    %eq3A_42 = arith.cmpi eq, %get3A_7, %eq3A_41 : i32
    %and3A_43 = arith.andi %eq3A_40, %eq3A_42 : i1
    %convert_element_type3A_44 = arith.extui %and3A_43 : i1 to i32
    %cond3A_45 = arith.constant 0 : i32
    %cond3A_46 = arith.cmpi ne, %convert_element_type3A_44, %cond3A_45 : i32
    scf.if %cond3A_46 {
      %get3A_47 = arith.constant 0 : index
      %get3A_48 = arith.constant 0 : index
      %get3A_49 = vector.load %arg2[%get3A_47, %get3A_48] : memref<256x1024xf32, #tpu.memory_space<vmem>>, vector<256x1024xf32>
      %get3A_50 = arith.constant 0 : index
      %get3A_51 = arith.constant 0 : index
      %get3A_52 = vector.load %arg11[%get3A_50, %get3A_51] : memref<2048x1024xf32, #tpu.memory_space<vmem>>, vector<2048x1024xf32>
      %dot_general3A = arith.constant dense<0.000000e+00> : vector<256x2048xf32>
      %dot_general3A_53 = tpu.matmul %get3A_49, %get3A_52, %dot_general3A {dimension_numbers = #tpu.dot_dimension_numbers<[1], [1], [0], [0], [0, 0, 1, 0], [], []>, transpose_lhs_hint = false} : vector<256x1024xf32>, vector<2048x1024xf32>, vector<256x2048xf32> -> vector<256x2048xf32>
      %get3A_54 = arith.constant 0 : index
      %get3A_55 = arith.constant 0 : index
      %get3A_56 = vector.load %arg12[%get3A_54, %get3A_55] : memref<2048x1024xf32, #tpu.memory_space<vmem>>, vector<2048x1024xf32>
      %dot_general3A_57 = arith.constant dense<0.000000e+00> : vector<256x2048xf32>
      %dot_general3A_58 = tpu.matmul %get3A_49, %get3A_56, %dot_general3A_57 {dimension_numbers = #tpu.dot_dimension_numbers<[1], [1], [0], [0], [0, 0, 1, 0], [], []>, transpose_lhs_hint = false} : vector<256x1024xf32>, vector<2048x1024xf32>, vector<256x2048xf32> -> vector<256x2048xf32>
      %neg3A = arith.constant 0.000000e+00 : f32
      %neg3A_59 = vector.broadcast %neg3A : f32 to vector<256x2048xf32>
      %neg3A_60 = arith.subf %neg3A_59, %dot_general3A_53 : vector<256x2048xf32>
      %exp3A = math.exp %neg3A_60 : vector<256x2048xf32>
      %add3A = arith.constant 1.000000e+00 : f32
      %add3A_61 = vector.broadcast %add3A : f32 to vector<256x2048xf32>
      %add3A_62 = arith.addf %add3A_61, %exp3A : vector<256x2048xf32>
      %div3A = arith.constant 1.000000e+00 : f32
      %div3A_63 = vector.broadcast %div3A : f32 to vector<256x2048xf32>
      %div3A_64 = arith.divf %div3A_63, %add3A_62 : vector<256x2048xf32>
      %mul3A = arith.mulf %dot_general3A_53, %div3A_64 : vector<256x2048xf32>
      %mul3A_65 = arith.mulf %mul3A, %dot_general3A_58 : vector<256x2048xf32>
      %get3A_66 = arith.constant 0 : index
      %get3A_67 = arith.constant 0 : index
      %get3A_68 = vector.load %arg13[%get3A_66, %get3A_67] : memref<1024x2048xf32, #tpu.memory_space<vmem>>, vector<1024x2048xf32>
      %dot_general3A_69 = arith.constant dense<0.000000e+00> : vector<256x1024xf32>
      %dot_general3A_70 = tpu.matmul %mul3A_65, %get3A_68, %dot_general3A_69 {dimension_numbers = #tpu.dot_dimension_numbers<[1], [1], [0], [0], [0, 0, 1, 0], [], []>, transpose_lhs_hint = false} : vector<256x2048xf32>, vector<1024x2048xf32>, vector<256x1024xf32> -> vector<256x1024xf32>
      %get3A_71 = arith.constant 0 : index
      %get3A_72 = arith.constant 0 : index
      %get3A_73 = vector.load %arg3[%get3A_71, %get3A_72] : memref<256x128xf32, #tpu.memory_space<vmem>>, vector<256x1xf32>
      %mul3A_74 = vector.broadcast %get3A_73 : vector<256x1xf32> to vector<256x1024xf32>
      %mul3A_75 = arith.mulf %dot_general3A_70, %mul3A_74 : vector<256x1024xf32>
      %swap3A = arith.constant 0 : index
      %swap3A_76 = arith.constant 0 : index
      %swap3A_77 = vector.load %arg7[%swap3A, %swap3A_76] : memref<256x1024xf32, #tpu.memory_space<vmem>>, vector<256x1024xf32>
      tpu.vector_store %arg7[%swap3A, %swap3A_76], %mul3A_75 {strides = array<i32>} : memref<256x1024xf32, #tpu.memory_space<vmem>>, vector<256x1024xf32>,
    } else {
    }
    return
  }
  func.func @transform_0(%arg0: i32, %arg1: memref<5x32xi32, #tpu.memory_space<smem>>) -> (i32, i32) {
    %c0_i32 = arith.constant 0 : i32
    %c0_i32_0 = arith.constant 0 : i32
    return %arg0, %c0_i32 : i32, i32
  }
  func.func @transform_1(%arg0: i32, %arg1: memref<5x32xi32, #tpu.memory_space<smem>>) -> (i32, i32) {
    %c0_i32 = arith.constant 0 : i32
    %c0_i32_0 = arith.constant 0 : i32
    return %arg0, %c0_i32 : i32, i32
  }
  func.func @transform_5(%arg0: i32, %arg1: memref<5x32xi32, #tpu.memory_space<smem>>) -> (i32, i32) {
    %c0_i32 = arith.constant 0 : i32
    %c0_i32_0 = arith.constant 0 : i32
    return %arg0, %c0_i32 : i32, i32
  }
}

</mosaic_0001>

<sc_bundles>
// kernel: kernel.6.cloned.1.call-start
scs
__scs_entry_jumppad:
0x0: {  	(pc) =	sbr.rel $0x88, $3  }
0x1: {  	(tag) =	ssettag $0x0;
	lr =	simm.s32 $0x1  }
0x2: {  	[smem:$0x3F9C] =	sst lr;
	_ =	strace $0xD0000000  }
0x3: {  	_ = 	snop  }
0x4: {  	_ = 	snop  }
0x5: {  	_ = 	snop  }
0x6: {  	_ = 	snop  }
0x7: {  	_ = 	snop  }
__scs_overlays_trampoline_lowered:
0x8: {  	[smem:$0x3FAB] =	sst s0  }
0x9: {  	[smem:$0x3FAC] =	sst s1  }
0xa: {  	[smem:$0x3FAD] =	sst s2  }
0xb: {  	[smem:$0x3FAE] =	sst s3  }
0xc: {  	[smem:$0x3FAF] =	sst s4  }
0xd: {  	[smem:$0x3FB0] =	sst s5  }
0xe: {  	[smem:$0x3FB1] =	sst s6  }
0xf: {  	[smem:$0x3FB2] =	sst s7  }
0x10: {  	[smem:$0x3FB3] =	sst s8  }
0x11: {  	[smem:$0x3FB4] =	sst s9;
	s0 =	simm.s32 @!p0 $0x0  }
0x12: {  	s1 =	sld [smem:$0x3F9A];
	s0 =	simm.s32 @p0 $0x1  }
0x13: {  	[smem:$0x3FB5] =	sst s0;
	s0 =	simm.s32 @!p1 $0x0  }
0x14: {  	s2 =	sld [smem:$0x3F99];
	s0 =	simm.s32 @p1 $0x1  }
0x15: {  	[smem:$0x3FB6] =	sst s0;
	s0 =	simm.s32 @!p2 $0x0  }
0x16: {  	s3 =	sld [smem:$0x3FDB];
	s0 =	simm.s32 @p2 $0x1  }
0x17: {  	s4 =	simm.s32 $0x1BF5;
	[smem:$0x3FB8] =	sst s0  }
0x18: {  	s0 =	sld [smem:$0x3F9B];
	_ =	swait.ge [sflag:s4], $0x0  }
0x19: {  	s7 =	sld [smem:$0x3F9C]  }
0x1a: {  	s8 =	sadd.s32 $0xFFFFE003, lr  }
0x1b: {  	s9 =	sadd.s32 $0xFFFFFEF7, lr;
	s5 =	simm.s32 $0xFFFFFFFF;
	p2 =	slt.u32 s8, $0xFFFFF086  }
0x1c: {  	p1 =	slt.u32 s9, $0xF7A;
	s5 =	simm.s32 @!p2 $0x0  }
0x1d: {  	s5 =	simm.s32 @p1 $0x1;
	p0 =	seq.s32 s7, s2  }
0x1e: {  	s7 =	smul.u32 @!p0 $0xF7A, s2;
	p2 =	seq.s32 @!p0 s5, $0x0  }
0x1f: {  	s9 =	smul.u32 $0xF7A, s1;
	s8 =	simm.s32 @!p0 $0x1BF5;
	p2 =	por !p2, p0  }
0x20: {  	[sflag:s8] =	ssyncset.s32 @!p0 $0xFFFFF086;
	s6 =	sadd.s32 @!p0 s3, s7;
	s7 =	simm.s32 @!p0 $0x108  }
0x21: {  	s3 =	sadd.s32 s3, s9;
	s6 =	sadd.s32 @!p0 $0x88, s6;
	s7 =	simm.s32 @p2 $0x1082  }
0x22: {  	[simem:s7], [sflag:s8] =	dma.local @!p0 [hbm:s6], $0xF7A  }
0x23: {  	s9 =	sor.u32 $0xD0000000, s2;
	s6 =	simm.s32 $0x108;
	_ =	swait.ge @!p0 [sflag:s8], $0x0  }
0x24: {  	s3 =	sadd.s32 $0x88, s3;
	s6 =	simm.s32 @!p1 $0x1082;
	[sflag:s4] =	ssyncset.s32 $0xFFFFF086  }
0x25: {  	[simem:s6], [sflag:s4] =	dma.local [hbm:s3], $0xF7A  }
0x26: {  	[smem:$0x3F9C] =	sst s1;
	(tag) =	ssettag s2;
	_ =	strace s9  }
0x27: {  	s1 =	sld [smem:$0x3FAC]  }
0x28: {  	s2 =	sld [smem:$0x3FAD]  }
0x29: {  	s4 =	sld [smem:$0x3FAF]  }
0x2a: {  	p0 =	seq.s32 s5, $0x0;
	s5 =	sld [smem:$0x3FB0]  }
0x2b: {  	s6 =	sld [smem:$0x3FB1]  }
0x2c: {  	s7 =	sld [smem:$0x3FB2]  }
0x2d: {  	s3 =	simm.s32 $0x108;
	s8 =	sld [smem:$0x3FB3]  }
0x2e: {  	s3 =	simm.s32 @!p0 $0x1082;
	s9 =	sld [smem:$0x3FB4]  }
0x2f: {  	lr =	sadd.s32 s0, s3;
	s0 =	sld [smem:$0x3FAB]  }
0x30: {  	s3 =	sld [smem:$0x3FAE]  }
0x31: {  	[smem:$0x3FB7] =	sst s10  }
0x32: {  	s10 =	sld [smem:$0x3FB5];
	_ =	sdelay $0x3  }
0x33: {  	p0 =	seq.s32 s10, $0x1;
	s10 =	sld [smem:$0x3FB7];
	_ =	sdelay $0x3  }
0x34: {  	[smem:$0x3FB7] =	sst s10  }
0x35: {  	s10 =	sld [smem:$0x3FB6];
	_ =	sdelay $0x3  }
0x36: {  	p1 =	seq.s32 s10, $0x1;
	s10 =	sld [smem:$0x3FB7];
	_ =	sdelay $0x3  }
0x37: {  	[smem:$0x3FB7] =	sst s10  }
0x38: {  	s10 =	sld [smem:$0x3FB8]  }
0x39: {  	_ = 	snop;
	(pc) =	sbr.ind lr, $3  }
0x3a: {  	_ = 	snop  }
0x3b: {  	_ = 	snop  }
0x3c: {  	p2 =	seq.s32 s10, $0x1;
	s10 =	sld [smem:$0x3FB7]  }
0x3d: {  	_ =	shalt  }
0x3e: {  	_ =	shalt  }
0x3f: {  	_ =	shalt  }
0x40: {  	_ =	shalt  }
0x41: {  	_ =	shalt  }
0x42: {  	_ =	shalt  }
0x43: {  	_ =	shalt  }
0x44: {  	_ =	shalt  }
0x45: {  	_ =	shalt  }
0x46: {  	_ =	shalt  }
0x47: {  	_ =	shalt  }
0x48: {  	_ =	shalt  }
0x49: {  	_ =	shalt  }
0x4a: {  	_ =	shalt  }
0x4b: {  	_ =	shalt  }
0x4c: {  	_ =	shalt  }
0x4d: {  	_ =	shalt  }
0x4e: {  	_ =	shalt  }
0x4f: {  	_ =	shalt  }
0x50: {  	_ =	shalt  }
0x51: {  	_ =	shalt  }
0x52: {  	_ =	shalt  }
0x53: {  	_ =	shalt  }
0x54: {  	_ =	shalt  }
0x55: {  	_ =	shalt  }
0x56: {  	_ =	shalt  }
0x57: {  	_ =	shalt  }
0x58: {  	_ =	shalt  }
0x59: {  	_ =	shalt  }
0x5a: {  	_ =	shalt  }
0x5b: {  	_ =	shalt  }
0x5c: {  	_ =	shalt  }
0x5d: {  	_ =	shalt  }
0x5e: {  	_ =	shalt  }
0x5f: {  	_ =	shalt  }
0x60: {  	_ =	shalt  }
0x61: {  	_ =	shalt  }
0x62: {  	_ =	shalt  }
0x63: {  	_ =	shalt  }
0x64: {  	_ =	shalt  }
0x65: {  	_ =	shalt  }
0x66: {  	_ =	shalt  }
0x67: {  	_ =	shalt  }
0x68: {  	_ =	shalt  }
0x69: {  	_ =	shalt  }
0x6a: {  	_ =	shalt  }
0x6b: {  	_ =	shalt  }
0x6c: {  	_ =	shalt  }
0x6d: {  	_ =	shalt  }
0x6e: {  	_ =	shalt  }
0x6f: {  	_ =	shalt  }
0x70: {  	_ =	shalt  }
0x71: {  	_ =	shalt  }
0x72: {  	_ =	shalt  }
0x73: {  	_ =	shalt  }
0x74: {  	_ =	shalt  }
0x75: {  	_ =	shalt  }
0x76: {  	_ =	shalt  }
0x77: {  	_ =	shalt  }
0x78: {  	_ =	shalt  }
0x79: {  	_ =	shalt  }
0x7a: {  	_ =	shalt  }
0x7b: {  	_ =	shalt  }
0x7c: {  	_ =	shalt  }
0x7d: {  	_ =	shalt  }
0x7e: {  	_ =	shalt  }
0x7f: {  	_ =	shalt  }
0x80: {  	_ =	shalt  }
0x81: {  	_ =	shalt  }
0x82: {  	_ =	shalt  }
0x83: {  	_ =	shalt  }
0x84: {  	_ =	shalt  }
0x85: {  	_ =	shalt  }
0x86: {  	_ =	shalt  }
0x87: {  	_ =	shalt  }
.Lfunc_end0:
.L_simem_size_0:
called_computation_lowered:
.L_overlay_start_0:
0x88: {  	s2 =	sld [smem:$0x3FD9]  }
0x89: {  	s3 =	sld [smem:$0x3FFE];
	_ =	sdelay $0x1  }
0x8a: {  	s1 =	srdreg.scid  }
0x8b: {  	s0 =	sand.u32 $0x1, s1  }
0x8c: {  	s17 =	sshll.u32 s0, $0xA;
	s2 =	sadd.s32 s3, s2  }
0x8d: {  	s2 =	sadd.s32 s2, s17  }
0x8e: {  	[smem:$0x3FC3] =	sst s2  }
0x8f: {  	_ = 	snop  }
0x90: {  	s2 =	sld [smem:$0x3FC9]  }
0x91: {  	s18 =	sld [smem:$0x3FD0];
	(tm) =	ssettm $0x1  }
0x92: {  	s4 =	sld [smem:$0x3FFB];
	_ =	sdelay $0x3  }
0x93: {  	_ =	strace s4  }
0x94: {  	s4 =	sld [smem:$0x3FFC];
	_ =	sdelay $0x3  }
0x95: {  	_ =	strace s4  }
0x96: {  	s4 =	sld [smem:$0x3FFD];
	_ =	sdelay $0x3  }
0x97: {  	_ =	strace s4  }
0x98: {  	_ =	strace $0x8FFFFFFF  }
0x99: {  	s19 =	sld [smem:$0x3FDB];
	_ =	sdelay $0x1  }
0x9a: {  	s5 =	simm.s32 $_scs_section_size  }
0x9b: {  	s6 =	simm.s32 $_size__tile_overlayer_lowered;
	s7 =	simm.s32 $_tile_overlayer_lowered  }
0x9c: {  	s22 =	simm.s32 $0x1BFF;
	s21 =	sshll.u32 s7, $0x1;
	s4 =	sadd.s32 s5, s19  }
0x9d: {  	s8 =	simm.s32 $0x0;
	s20 =	sshll.u32 s6, $0x1;
	s6 =	sadd.s32 s21, s4  }
0x9e: {  	[timem:s8], [sflag:s22] =	dma.local [hbm:s6], s20  }
0x9f: {  	_ =	swait.ge [sflag:s22], s20  }
0xa0: {  	s5 =	ssub.s32 $0x0, s20;
	[sflag:s22] =	ssyncset.done $0x0  }
0xa1: {  	[sflag:s22] =	ssyncadd.s32 s5;
	_ =	sdelay $0x1  }
0xa2: {  	s23 =	simm.s32 $0x1B8B  }
0xa3: {  	_ =	swait.ge [sflag:s23], $0x1  }
0xa4: {  	[sflag:s23] =	ssyncset.done $0x0  }
0xa5: {  	s25 =	simm.s32 $0x1B8E;
	s24 =	sld [smem:$0x3FFE];
	[sflag:s23] =	ssyncadd.s32 $0xFFFFFFFF  }
0xa6: {  	s26 =	simm.s32 $execute0_lowered;
	[smem:$0x3FD2] =	sst s25  }
0xa7: {  	s6 =	sshll.u32 s26, $0x1;
	_ =	strace $0x80000046;
	[dreg:$0x1] =	wrdreg $0xFFFFFFFF  }
0xa8: {  	s28 =	simm.s32 $_size_execute0_lowered;
	s4 =	sadd.s32 s4, s6;
	[dreg:$0x0] =	wrdreg $0x0  }
0xa9: {  	s6 =	sshll.u32 s28, $0x1;
	[dreg:$0x2] =	wrdreg s4  }
0xaa: {  	[dreg:$0x3] =	wrdreg s6  }
0xab: {  	[dreg:$0x4] =	wrdreg $0xC0  }
0xac: {  	_ =	task [dreg:s8], $0x5FFFF  }
0xad: {  	[dreg:$0x1] =	wrdreg $0xFFFFFFFF  }
0xae: {  	[dreg:$0x0] =	wrdreg $0x60  }
0xaf: {  	[dreg:$0x2] =	wrdreg s2  }
0xb0: {  	[dreg:$0x3] =	wrdreg s24  }
0xb1: {  	[dreg:$0x4] =	wrdreg s18  }
0xb2: {  	[dreg:$0x5] =	wrdreg $0x9  }
0xb3: {  	_ =	task.clear_ibuf [dreg:s8], $0x6FFFF;
	_ =	strace $0x90000046  }
0xb4: {  	s29 =	simm.s32 $0x9;
	_ =	strace $0x80000048  }
0xb5: {  	_ =	swait.ge [sflag:s29], $0x1  }
0xb6: {  	[sflag:s29] =	ssyncadd.s32 $0xFFFFFFFF  }
0xb7: {  	_ =	strace $0x90000048  }
0xb8: {  	_ =	sfence  }
0xb9: {  	s30 =	sld [smem:$0x0];
	_ =	sdelay $0x2  }
0xba: {  	s31 =	sshll.u32 s1, $0xD;
	s1 =	sshrl.u32 s1, $0x2  }
0xbb: {  	s3 =	sand.u32 $0x4000, s31;
	s1 =	sadd.s32 s1, s30  }
0xbc: {  	s0 =	sor.u32 s3, s0;
	s1 =	sshll.u32 s1, $0x11  }
0xbd: {  	s0 =	sor.u32 s1, s0  }
0xbe: {  	s0 =	sadd.s32 $0x8F2B, s0  }
0xbf: {  	[sflag:s0] =	ssyncadd.remote.s32 $0x1  }
0xc0: {  	_ =	sfence.sel $0xFFFF  }
0xc1: {  	[dreg:$0x0] =	wrdreg $0xFFFFFFFF;
	(pc) =	sbr.abs _section_cstart, $3  }
0xc2: {  	[dreg:$0x1] =	wrdreg $0xFFFFFFFF  }
0xc3: {  	_ =	task.clear_ibuf [dreg:s8], $0x2FFFF;
	_ =	strace $0x9FFFFFFF  }
0xc4: {  	(tm) =	ssettm $0x7FFFFFFF  }
0xc5: {  	_ =	shalt  }
tec
execute0_lowered:
.L_overlay_start_1:
0x0: {  	(tag) =	ssettag $0x1  }
0x1: {  	s0 =	rddreg [dreg:$0x0]  }
0x2: {  	s1 =	rddreg [dreg:$0x1];
	s2 =	srdreg.scid;
	s3 =	simm.s32 $0x0  }
0x3: {  	s4 =	stileid.u32;
	s11 =	simm.s32 $0x1;
	s10 =	simm.s32 $0x80  }
0x4: {  	s28 =	simm.s32 $0x1880;
	s29 =	simm.s32 $0x2080;
	s30 =	simm.s32 $0x2880  }
0x5: {  	s31 =	simm.s32 $0x3080;
	s12 =	simm.s32 $0x5080;
	s13 =	simm.s32 $0x5880  }
0x6: {  	s14 =	simm.s32 $0x6080;
	s15 =	simm.s32 $0x6880;
	s16 =	simm.s32 $0x7080  }
0x7: {  	s17 =	simm.s32 $0x7880;
	s18 =	simm.s32 $0x8080;
	s19 =	simm.s32 $0x8880  }
0x8: {  	s2 =	sand.u32 $0x1, s2;
	[smem:$0x7FF] =	sst s3;
	s4 =	sshll.u32 s4, $0x8  }
0x9: {  	s6 =	sadd.s32 $0x1800, s1;
	s7 =	sadd.s32 $0x11800, s1;
	s5 =	sshll.u32 s2, $0x7  }
0xa: {  	_ =	strace $0x80000047;
	s2 =	ssub.s32 $0x2, s2;
	s5 =	sor.u32 s5, s4  }
0xb: {  	s4 =	sadd.s32 $0x11C00, s1;
	s9 =	sshrl.u32 s2, $0x1;
	s8 =	sshrl.u32 s5, $0x3  }
0xc: {  	s2 =	ssub.s32 s2, s9;
	s20 =	sshll.u32 s5, $0x7;
	s21 =	sshll.u32 s5, $0x4  }
0xd: {  	s5 =	sor.u32 $0x40, s5;
	s9 =	simm.s32 $0xA080;
	s8 =	sadd.s32 s7, s8  }
0xe: {  	s22 =	sadd.s32 s6, s21;
	s23 =	sshrl.u32 s5, $0x3;
	s24 =	sshll.u32 s5, $0x7  }
0xf: {  	s25 =	sshll.u32 s5, $0x4;
	s5 =	sadd.s32 $0x11D00, s1;
	[dreg:$0x4] =	wrdreg s8  }
0x10: {  	s21 =	simm.s32 $0x9880;
	s8 =	sadd.s32 s0, s20;
	[dreg:$0x6] =	wrdreg s22  }
0x11: {  	s7 =	sadd.s32 s7, s23;
	s0 =	sadd.s32 s0, s24;
	[dreg:$0x5] =	wrdreg s8  }
0x12: {  	s26 =	sadd.s32 s6, s25;
	s6 =	sadd.s32 $0x11E00, s1;
	[dreg:$0x7] =	wrdreg s7  }
0x13: {  	v2 =	vlaneseq.u32;
	s25 =	simm.s32 $0x880;
	s20 =	simm.s32 $0x9080;
	[dreg:$0x8] =	wrdreg s0  }
0x14: {  	vm0 =	vmmov $0xffff;
	v1 =	vshrl.u32 v2, $0x3;
	s7 =	sadd.s32 $0x11F00, s1;
	[dreg:$0x9] =	wrdreg s26;
	s8 =	smax.u32 s2, $0x1  }
0x15: {  	v0 =	vand.u32 $0x7, v2;
	v2 =	vor.u32 $0x8, v2;
	v1 =	vmul.u32 $0x8, v1;
	s26 =	simm.s32 $0x1080;
	s1 =	simm.s32 $0x4080;
	s2 =	simm.s32 $0x4880  }
.LBB2_1:
0x16: {  	s22 =	rddreg [dreg:$0x4]  }
0x17: {  	[tilespmem:s3], [sflag:$0x1] =	stream.linear.gather [hbm4b:s22+s3], $0x40, $0x38;
	[tilespmem:$0x12080] =	vst v63  }
0x18: {  	s23 =	rddreg [dreg:$0x5]  }
0x19: {  	[tilespmem:s10], [sflag:$0x1] =	stream.linear.gather [hbm4b:s23+s3], $0x10000, $0x38;
	[tilespmem:$0x12080] =	vst v63  }
0x1a: {  	s24 =	rddreg [dreg:$0x6];
	s0 =	simm.s32 $0x10080  }
0x1b: {  	[tilespmem:s0], [sflag:$0x1] =	stream.linear.gather [hbm4b:s24+s3], $0x2000, $0x38;
	[tilespmem:$0x12080] =	vst v63  }
0x1c: {  	_ =	swait.ge [sflag:s11], $0x40  }
0x1d: {  	[sflag:s11] =	ssyncset.done $0x0  }
0x1e: {  	[sflag:s11] =	ssyncadd.s32 $0xFFFFFFC0  }
0x1f: {  	_ =	swait.ge [sflag:s11], $0x10000  }
0x20: {  	[sflag:s11] =	ssyncset.done $0x0  }
0x21: {  	[sflag:s11] =	ssyncadd.s32 $0xFFFF0000  }
0x22: {  	_ =	swait.ge [sflag:s11], $0x2000  }
0x23: {  	[sflag:s11] =	ssyncset.done $0x0  }
0x24: {  	[sflag:s11] =	ssyncadd.s32 $0xFFFFE000  }
0x25: {  	v3 =	vld [tilespmem:$0x0];
	_ =	sdelay $0x4  }
0x26: {  	v4 =	vshll.u32 v3, $0x3  }
0x27: {  	v3 =	vand.u32 $0x7, v3;
	v4 =	vand.u32 $0xFFFFFFC0, v4  }
0x28: {  	v3 =	vor.u32 v3, v4  }
0x29: {  	v4 =	vperm.xlane v3, v0;
	_ =	sdelay $0x1  }
0x2a: {  	v4 =	vadd.s32 v1, v4;
	_ =	sdelay $0x4  }
0x2b: {  	[hbm4b:s4+s3] =	stream.indirect_vreg.scatter [tilespmem:s10], [sflag:$0x1], $0x80, v4, vm0, $0xb8;
	[tilespmem:$0x12080] =	vst v63  }
0x2c: {  	v3 =	vperm.xlane v3, v2  }
0x2d: {  	[hbm4b:s5+s3] =	stream.indirect_vreg.scatter [tilespmem:s25], [sflag:$0x1], $0x80, v4, vm0, $0xb8;
	[tilespmem:$0x12080] =	vst v63  }
0x2e: {  	v3 =	vadd.s32 v1, v3  }
0x2f: {  	[hbm4b:s6+s3] =	stream.indirect_vreg.scatter [tilespmem:s26], [sflag:$0x1], $0x80, v4, vm0, $0xb8;
	[tilespmem:$0x12080] =	vst v63  }
0x30: {  	_ = 	snop  }
0x31: {  	[hbm4b:s7+s3] =	stream.indirect_vreg.scatter [tilespmem:s28], [sflag:$0x1], $0x80, v4, vm0, $0xb8;
	[tilespmem:$0x12080] =	vst v63  }
0x32: {  	_ = 	snop  }
0x33: {  	[hbm4b:s4+s3] =	stream.indirect_vreg.scatter [tilespmem:s29], [sflag:$0x1], $0x80, v3, vm0, $0xb8;
	[tilespmem:$0x12080] =	vst v63  }
0x34: {  	_ = 	snop  }
0x35: {  	[hbm4b:s5+s3] =	stream.indirect_vreg.scatter [tilespmem:s30], [sflag:$0x1], $0x80, v3, vm0, $0xb8;
	[tilespmem:$0x12080] =	vst v63  }
0x36: {  	_ = 	snop  }
0x37: {  	[hbm4b:s6+s3] =	stream.indirect_vreg.scatter [tilespmem:s31], [sflag:$0x1], $0x80, v3, vm0, $0xb8;
	[tilespmem:$0x12080] =	vst v63  }
0x38: {  	s23 =	simm.s32 $0x3880  }
0x39: {  	[hbm4b:s7+s3] =	stream.indirect_vreg.scatter [tilespmem:s23], [sflag:$0x1], $0x80, v3, vm0, $0xb8;
	[tilespmem:$0x12080] =	vst v63  }
0x3a: {  	v3 =	vld [tilespmem:$0x10];
	_ =	sdelay $0x4  }
0x3b: {  	v57 =	vshll.u32 v3, $0x3  }
0x3c: {  	v3 =	vand.u32 $0x7, v3;
	v4 =	vand.u32 $0xFFFFFFC0, v57  }
0x3d: {  	v3 =	vor.u32 v3, v4  }
0x3e: {  	v4 =	vperm.xlane v3, v0;
	_ =	sdelay $0x1  }
0x3f: {  	v4 =	vadd.s32 v1, v4;
	_ =	sdelay $0x4  }
0x40: {  	[hbm4b:s4+s3] =	stream.indirect_vreg.scatter [tilespmem:s1], [sflag:$0x1], $0x80, v4, vm0, $0xb8;
	[tilespmem:$0x12080] =	vst v63  }
0x41: {  	v3 =	vperm.xlane v3, v2  }
0x42: {  	[hbm4b:s5+s3] =	stream.indirect_vreg.scatter [tilespmem:s2], [sflag:$0x1], $0x80, v4, vm0, $0xb8;
	[tilespmem:$0x12080] =	vst v63  }
0x43: {  	v3 =	vadd.s32 v1, v3  }
0x44: {  	[hbm4b:s6+s3] =	stream.indirect_vreg.scatter [tilespmem:s12], [sflag:$0x1], $0x80, v4, vm0, $0xb8;
	[tilespmem:$0x12080] =	vst v63  }
0x45: {  	_ = 	snop  }
0x46: {  	[hbm4b:s7+s3] =	stream.indirect_vreg.scatter [tilespmem:s13], [sflag:$0x1], $0x80, v4, vm0, $0xb8;
	[tilespmem:$0x12080] =	vst v63  }
0x47: {  	_ = 	snop  }
0x48: {  	[hbm4b:s4+s3] =	stream.indirect_vreg.scatter [tilespmem:s14], [sflag:$0x1], $0x80, v3, vm0, $0xb8;
	[tilespmem:$0x12080] =	vst v63  }
0x49: {  	_ = 	snop  }
0x4a: {  	[hbm4b:s5+s3] =	stream.indirect_vreg.scatter [tilespmem:s15], [sflag:$0x1], $0x80, v3, vm0, $0xb8;
	[tilespmem:$0x12080] =	vst v63  }
0x4b: {  	_ = 	snop  }
0x4c: {  	[hbm4b:s6+s3] =	stream.indirect_vreg.scatter [tilespmem:s16], [sflag:$0x1], $0x80, v3, vm0, $0xb8;
	[tilespmem:$0x12080] =	vst v63  }
0x4d: {  	_ = 	snop  }
0x4e: {  	[hbm4b:s7+s3] =	stream.indirect_vreg.scatter [tilespmem:s17], [sflag:$0x1], $0x80, v3, vm0, $0xb8;
	[tilespmem:$0x12080] =	vst v63  }
0x4f: {  	v3 =	vld [tilespmem:$0x20];
	_ =	sdelay $0x4  }
0x50: {  	v58 =	vshll.u32 v3, $0x3  }
0x51: {  	v3 =	vand.u32 $0x7, v3;
	v4 =	vand.u32 $0xFFFFFFC0, v58  }
0x52: {  	v3 =	vor.u32 v3, v4  }
0x53: {  	v4 =	vperm.xlane v3, v0;
	_ =	sdelay $0x1  }
0x54: {  	v4 =	vadd.s32 v1, v4;
	_ =	sdelay $0x4  }
0x55: {  	[hbm4b:s4+s3] =	stream.indirect_vreg.scatter [tilespmem:s18], [sflag:$0x1], $0x80, v4, vm0, $0xb8;
	[tilespmem:$0x12080] =	vst v63  }
0x56: {  	v3 =	vperm.xlane v3, v2  }
0x57: {  	[hbm4b:s5+s3] =	stream.indirect_vreg.scatter [tilespmem:s19], [sflag:$0x1], $0x80, v4, vm0, $0xb8;
	[tilespmem:$0x12080] =	vst v63  }
0x58: {  	v3 =	vadd.s32 v1, v3  }
0x59: {  	[hbm4b:s6+s3] =	stream.indirect_vreg.scatter [tilespmem:s20], [sflag:$0x1], $0x80, v4, vm0, $0xb8;
	[tilespmem:$0x12080] =	vst v63  }
0x5a: {  	_ = 	snop  }
0x5b: {  	[hbm4b:s7+s3] =	stream.indirect_vreg.scatter [tilespmem:s21], [sflag:$0x1], $0x80, v4, vm0, $0xb8;
	[tilespmem:$0x12080] =	vst v63  }
0x5c: {  	_ = 	snop  }
0x5d: {  	[hbm4b:s4+s3] =	stream.indirect_vreg.scatter [tilespmem:s9], [sflag:$0x1], $0x80, v3, vm0, $0xb8;
	[tilespmem:$0x12080] =	vst v63  }
0x5e: {  	s24 =	simm.s32 $0xA880  }
0x5f: {  	[hbm4b:s5+s3] =	stream.indirect_vreg.scatter [tilespmem:s24], [sflag:$0x1], $0x80, v3, vm0, $0xb8;
	[tilespmem:$0x12080] =	vst v63  }
0x60: {  	s22 =	simm.s32 $0xB080  }
0x61: {  	[hbm4b:s6+s3] =	stream.indirect_vreg.scatter [tilespmem:s22], [sflag:$0x1], $0x80, v3, vm0, $0xb8;
	[tilespmem:$0x12080] =	vst v63  }
0x62: {  	s23 =	simm.s32 $0xB880  }
0x63: {  	[hbm4b:s7+s3] =	stream.indirect_vreg.scatter [tilespmem:s23], [sflag:$0x1], $0x80, v3, vm0, $0xb8;
	[tilespmem:$0x12080] =	vst v63  }
0x64: {  	v3 =	vld [tilespmem:$0x30];
	_ =	sdelay $0x4  }
0x65: {  	v59 =	vshll.u32 v3, $0x3  }
0x66: {  	v3 =	vand.u32 $0x7, v3;
	v4 =	vand.u32 $0xFFFFFFC0, v59  }
0x67: {  	v3 =	vor.u32 v3, v4  }
0x68: {  	v4 =	vperm.xlane v3, v0;
	_ =	sdelay $0x1  }
0x69: {  	v4 =	vadd.s32 v1, v4;
	_ =	sdelay $0x3  }
0x6a: {  	s24 =	simm.s32 $0xC080  }
0x6b: {  	[hbm4b:s4+s3] =	stream.indirect_vreg.scatter [tilespmem:s24], [sflag:$0x1], $0x80, v4, vm0, $0xb8;
	[tilespmem:$0x12080] =	vst v63  }
0x6c: {  	s22 =	simm.s32 $0xC880;
	v3 =	vperm.xlane v3, v2  }
0x6d: {  	[hbm4b:s5+s3] =	stream.indirect_vreg.scatter [tilespmem:s22], [sflag:$0x1], $0x80, v4, vm0, $0xb8;
	[tilespmem:$0x12080] =	vst v63  }
0x6e: {  	s23 =	simm.s32 $0xD080;
	v3 =	vadd.s32 v1, v3  }
0x6f: {  	[hbm4b:s6+s3] =	stream.indirect_vreg.scatter [tilespmem:s23], [sflag:$0x1], $0x80, v4, vm0, $0xb8;
	[tilespmem:$0x12080] =	vst v63  }
0x70: {  	s24 =	simm.s32 $0xD880  }
0x71: {  	[hbm4b:s7+s3] =	stream.indirect_vreg.scatter [tilespmem:s24], [sflag:$0x1], $0x80, v4, vm0, $0xb8;
	[tilespmem:$0x12080] =	vst v63  }
0x72: {  	s22 =	simm.s32 $0xE080  }
0x73: {  	[hbm4b:s4+s3] =	stream.indirect_vreg.scatter [tilespmem:s22], [sflag:$0x1], $0x80, v3, vm0, $0xb8;
	[tilespmem:$0x12080] =	vst v63  }
0x74: {  	s23 =	simm.s32 $0xE880  }
0x75: {  	[hbm4b:s5+s3] =	stream.indirect_vreg.scatter [tilespmem:s23], [sflag:$0x1], $0x80, v3, vm0, $0xb8;
	[tilespmem:$0x12080] =	vst v63  }
0x76: {  	s24 =	simm.s32 $0xF080  }
0x77: {  	[hbm4b:s6+s3] =	stream.indirect_vreg.scatter [tilespmem:s24], [sflag:$0x1], $0x80, v3, vm0, $0xb8;
	[tilespmem:$0x12080] =	vst v63  }
0x78: {  	s22 =	simm.s32 $0xF880  }
0x79: {  	[hbm4b:s7+s3] =	stream.indirect_vreg.scatter [tilespmem:s22], [sflag:$0x1], $0x80, v3, vm0, $0xb8;
	[tilespmem:$0x12080] =	vst v63  }
0x7a: {  	s0 =	simm.s32 $0x10080;
	s23 =	simm.s32 $0x40;
	s24 =	rddreg [dreg:$0x2]  }
0x7b: {  	[hbm4b:s24+s23] =	stream.indirect.scatter [tilespmem:s0], [sflag:$0x1], $0x80, s3, s23, $0xb8;
	[tilespmem:$0x12080] =	vst v63  }
0x7c: {  	_ =	swait.ge [sflag:s11], $0x10000  }
0x7d: {  	[sflag:s11] =	ssyncset.done $0x0  }
0x7e: {  	[sflag:s11] =	ssyncadd.s32 $0xFFFF0000  }
0x7f: {  	_ =	swait.ge [sflag:s11], $0x2000  }
0x80: {  	[sflag:s11] =	ssyncset.done $0x0  }
0x81: {  	s22 =	rddreg [dreg:$0x7];
	[sflag:s11] =	ssyncadd.s32 $0xFFFFE000  }
0x82: {  	[tilespmem:s3], [sflag:$0x1] =	stream.linear.gather [hbm4b:s22+s3], $0x40, $0x38;
	[tilespmem:$0x12080] =	vst v63  }
0x83: {  	s23 =	rddreg [dreg:$0x8]  }
0x84: {  	[tilespmem:s10], [sflag:$0x1] =	stream.linear.gather [hbm4b:s23+s3], $0x10000, $0x38;
	[tilespmem:$0x12080] =	vst v63  }
0x85: {  	s22 =	rddreg [dreg:$0x9]  }
0x86: {  	[tilespmem:s0], [sflag:$0x1] =	stream.linear.gather [hbm4b:s22+s3], $0x2000, $0x38;
	[tilespmem:$0x12080] =	vst v63  }
0x87: {  	_ =	swait.ge [sflag:s11], $0x40  }
0x88: {  	[sflag:s11] =	ssyncset.done $0x0  }
0x89: {  	[sflag:s11] =	ssyncadd.s32 $0xFFFFFFC0  }
0x8a: {  	_ =	swait.ge [sflag:s11], $0x10000  }
0x8b: {  	[sflag:s11] =	ssyncset.done $0x0  }
0x8c: {  	[sflag:s11] =	ssyncadd.s32 $0xFFFF0000  }
0x8d: {  	_ =	swait.ge [sflag:s11], $0x2000  }
0x8e: {  	[sflag:s11] =	ssyncset.done $0x0  }
0x8f: {  	[sflag:s11] =	ssyncadd.s32 $0xFFFFE000  }
0x90: {  	v3 =	vld [tilespmem:$0x0];
	_ =	sdelay $0x4  }
0x91: {  	v60 =	vshll.u32 v3, $0x3  }
0x92: {  	v3 =	vand.u32 $0x7, v3;
	v4 =	vand.u32 $0xFFFFFFC0, v60  }
0x93: {  	v3 =	vor.u32 v3, v4  }
0x94: {  	v4 =	vperm.xlane v3, v0;
	_ =	sdelay $0x1  }
0x95: {  	v4 =	vadd.s32 v1, v4;
	_ =	sdelay $0x4  }
0x96: {  	[hbm4b:s4+s3] =	stream.indirect_vreg.scatter [tilespmem:s10], [sflag:$0x1], $0x80, v4, vm0, $0xb8;
	[tilespmem:$0x12080] =	vst v63  }
0x97: {  	v3 =	vperm.xlane v3, v2  }
0x98: {  	[hbm4b:s5+s3] =	stream.indirect_vreg.scatter [tilespmem:s25], [sflag:$0x1], $0x80, v4, vm0, $0xb8;
	[tilespmem:$0x12080] =	vst v63  }
0x99: {  	v3 =	vadd.s32 v1, v3  }
0x9a: {  	[hbm4b:s6+s3] =	stream.indirect_vreg.scatter [tilespmem:s26], [sflag:$0x1], $0x80, v4, vm0, $0xb8;
	[tilespmem:$0x12080] =	vst v63  }
0x9b: {  	_ = 	snop  }
0x9c: {  	[hbm4b:s7+s3] =	stream.indirect_vreg.scatter [tilespmem:s28], [sflag:$0x1], $0x80, v4, vm0, $0xb8;
	[tilespmem:$0x12080] =	vst v63  }
0x9d: {  	_ = 	snop  }
0x9e: {  	[hbm4b:s4+s3] =	stream.indirect_vreg.scatter [tilespmem:s29], [sflag:$0x1], $0x80, v3, vm0, $0xb8;
	[tilespmem:$0x12080] =	vst v63  }
0x9f: {  	_ = 	snop  }
0xa0: {  	[hbm4b:s5+s3] =	stream.indirect_vreg.scatter [tilespmem:s30], [sflag:$0x1], $0x80, v3, vm0, $0xb8;
	[tilespmem:$0x12080] =	vst v63  }
0xa1: {  	_ = 	snop  }
0xa2: {  	[hbm4b:s6+s3] =	stream.indirect_vreg.scatter [tilespmem:s31], [sflag:$0x1], $0x80, v3, vm0, $0xb8;
	[tilespmem:$0x12080] =	vst v63  }
0xa3: {  	s23 =	simm.s32 $0x3880  }
0xa4: {  	[hbm4b:s7+s3] =	stream.indirect_vreg.scatter [tilespmem:s23], [sflag:$0x1], $0x80, v3, vm0, $0xb8;
	[tilespmem:$0x12080] =	vst v63  }
0xa5: {  	v3 =	vld [tilespmem:$0x10];
	_ =	sdelay $0x4  }
0xa6: {  	v61 =	vshll.u32 v3, $0x3  }
0xa7: {  	v3 =	vand.u32 $0x7, v3;
	v4 =	vand.u32 $0xFFFFFFC0, v61  }
0xa8: {  	v3 =	vor.u32 v3, v4  }
0xa9: {  	v4 =	vperm.xlane v3, v0;
	_ =	sdelay $0x1  }
0xaa: {  	v4 =	vadd.s32 v1, v4;
	_ =	sdelay $0x4  }
0xab: {  	[hbm4b:s4+s3] =	stream.indirect_vreg.scatter [tilespmem:s1], [sflag:$0x1], $0x80, v4, vm0, $0xb8;
	[tilespmem:$0x12080] =	vst v63  }
0xac: {  	v3 =	vperm.xlane v3, v2  }
0xad: {  	[hbm4b:s5+s3] =	stream.indirect_vreg.scatter [tilespmem:s2], [sflag:$0x1], $0x80, v4, vm0, $0xb8;
	[tilespmem:$0x12080] =	vst v63  }
0xae: {  	v3 =	vadd.s32 v1, v3  }
0xaf: {  	[hbm4b:s6+s3] =	stream.indirect_vreg.scatter [tilespmem:s12], [sflag:$0x1], $0x80, v4, vm0, $0xb8;
	[tilespmem:$0x12080] =	vst v63  }
0xb0: {  	_ = 	snop  }
0xb1: {  	[hbm4b:s7+s3] =	stream.indirect_vreg.scatter [tilespmem:s13], [sflag:$0x1], $0x80, v4, vm0, $0xb8;
	[tilespmem:$0x12080] =	vst v63  }
0xb2: {  	_ = 	snop  }
0xb3: {  	[hbm4b:s4+s3] =	stream.indirect_vreg.scatter [tilespmem:s14], [sflag:$0x1], $0x80, v3, vm0, $0xb8;
	[tilespmem:$0x12080] =	vst v63  }
0xb4: {  	_ = 	snop  }
0xb5: {  	[hbm4b:s5+s3] =	stream.indirect_vreg.scatter [tilespmem:s15], [sflag:$0x1], $0x80, v3, vm0, $0xb8;
	[tilespmem:$0x12080] =	vst v63  }
0xb6: {  	_ = 	snop  }
0xb7: {  	[hbm4b:s6+s3] =	stream.indirect_vreg.scatter [tilespmem:s16], [sflag:$0x1], $0x80, v3, vm0, $0xb8;
	[tilespmem:$0x12080] =	vst v63  }
0xb8: {  	_ = 	snop  }
0xb9: {  	[hbm4b:s7+s3] =	stream.indirect_vreg.scatter [tilespmem:s17], [sflag:$0x1], $0x80, v3, vm0, $0xb8;
	[tilespmem:$0x12080] =	vst v63  }
0xba: {  	v3 =	vld [tilespmem:$0x20];
	_ =	sdelay $0x4  }
0xbb: {  	v62 =	vshll.u32 v3, $0x3  }
0xbc: {  	v3 =	vand.u32 $0x7, v3;
	v4 =	vand.u32 $0xFFFFFFC0, v62  }
0xbd: {  	v3 =	vor.u32 v3, v4  }
0xbe: {  	v4 =	vperm.xlane v3, v0;
	_ =	sdelay $0x1  }
0xbf: {  	v4 =	vadd.s32 v1, v4;
	_ =	sdelay $0x4  }
0xc0: {  	[hbm4b:s4+s3] =	stream.indirect_vreg.scatter [tilespmem:s18], [sflag:$0x1], $0x80, v4, vm0, $0xb8;
	[tilespmem:$0x12080] =	vst v63  }
0xc1: {  	v3 =	vperm.xlane v3, v2  }
0xc2: {  	[hbm4b:s5+s3] =	stream.indirect_vreg.scatter [tilespmem:s19], [sflag:$0x1], $0x80, v4, vm0, $0xb8;
	[tilespmem:$0x12080] =	vst v63  }
0xc3: {  	v3 =	vadd.s32 v1, v3  }
0xc4: {  	[hbm4b:s6+s3] =	stream.indirect_vreg.scatter [tilespmem:s20], [sflag:$0x1], $0x80, v4, vm0, $0xb8;
	[tilespmem:$0x12080] =	vst v63  }
0xc5: {  	_ = 	snop  }
0xc6: {  	[hbm4b:s7+s3] =	stream.indirect_vreg.scatter [tilespmem:s21], [sflag:$0x1], $0x80, v4, vm0, $0xb8;
	[tilespmem:$0x12080] =	vst v63  }
0xc7: {  	_ = 	snop  }
0xc8: {  	[hbm4b:s4+s3] =	stream.indirect_vreg.scatter [tilespmem:s9], [sflag:$0x1], $0x80, v3, vm0, $0xb8;
	[tilespmem:$0x12080] =	vst v63  }
0xc9: {  	s23 =	simm.s32 $0xA880  }
0xca: {  	[hbm4b:s5+s3] =	stream.indirect_vreg.scatter [tilespmem:s23], [sflag:$0x1], $0x80, v3, vm0, $0xb8;
	[tilespmem:$0x12080] =	vst v63  }
0xcb: {  	s23 =	simm.s32 $0xB080  }
0xcc: {  	[hbm4b:s6+s3] =	stream.indirect_vreg.scatter [tilespmem:s23], [sflag:$0x1], $0x80, v3, vm0, $0xb8;
	[tilespmem:$0x12080] =	vst v63  }
0xcd: {  	s23 =	simm.s32 $0xB880  }
0xce: {  	[hbm4b:s7+s3] =	stream.indirect_vreg.scatter [tilespmem:s23], [sflag:$0x1], $0x80, v3, vm0, $0xb8;
	[tilespmem:$0x12080] =	vst v63  }
0xcf: {  	v3 =	vld [tilespmem:$0x30];
	_ =	sdelay $0x4  }
0xd0: {  	v63 =	vshll.u32 v3, $0x3  }
0xd1: {  	v3 =	vand.u32 $0x7, v3;
	v4 =	vand.u32 $0xFFFFFFC0, v63  }
0xd2: {  	v3 =	vor.u32 v3, v4  }
0xd3: {  	v4 =	vperm.xlane v3, v0;
	_ =	sdelay $0x1  }
0xd4: {  	v4 =	vadd.s32 v1, v4;
	_ =	sdelay $0x3  }
0xd5: {  	s23 =	simm.s32 $0xC080  }
0xd6: {  	[hbm4b:s4+s3] =	stream.indirect_vreg.scatter [tilespmem:s23], [sflag:$0x1], $0x80, v4, vm0, $0xb8;
	[tilespmem:$0x12080] =	vst v63  }
0xd7: {  	v3 =	vperm.xlane v3, v2;
	s23 =	simm.s32 $0xC880  }
0xd8: {  	[hbm4b:s5+s3] =	stream.indirect_vreg.scatter [tilespmem:s23], [sflag:$0x1], $0x80, v4, vm0, $0xb8;
	[tilespmem:$0x12080] =	vst v63  }
0xd9: {  	v3 =	vadd.s32 v1, v3;
	s23 =	simm.s32 $0xD080  }
0xda: {  	[hbm4b:s6+s3] =	stream.indirect_vreg.scatter [tilespmem:s23], [sflag:$0x1], $0x80, v4, vm0, $0xb8;
	[tilespmem:$0x12080] =	vst v63  }
0xdb: {  	s23 =	simm.s32 $0xD880  }
0xdc: {  	[hbm4b:s7+s3] =	stream.indirect_vreg.scatter [tilespmem:s23], [sflag:$0x1], $0x80, v4, vm0, $0xb8;
	[tilespmem:$0x12080] =	vst v63  }
0xdd: {  	s23 =	simm.s32 $0xE080  }
0xde: {  	[hbm4b:s4+s3] =	stream.indirect_vreg.scatter [tilespmem:s23], [sflag:$0x1], $0x80, v3, vm0, $0xb8;
	[tilespmem:$0x12080] =	vst v63  }
0xdf: {  	s23 =	simm.s32 $0xE880  }
0xe0: {  	[hbm4b:s5+s3] =	stream.indirect_vreg.scatter [tilespmem:s23], [sflag:$0x1], $0x80, v3, vm0, $0xb8;
	[tilespmem:$0x12080] =	vst v63  }
0xe1: {  	s23 =	simm.s32 $0xF080  }
0xe2: {  	[hbm4b:s6+s3] =	stream.indirect_vreg.scatter [tilespmem:s23], [sflag:$0x1], $0x80, v3, vm0, $0xb8;
	[tilespmem:$0x12080] =	vst v63  }
0xe3: {  	s23 =	simm.s32 $0xF880  }
0xe4: {  	[hbm4b:s7+s3] =	stream.indirect_vreg.scatter [tilespmem:s23], [sflag:$0x1], $0x80, v3, vm0, $0xb8;
	[tilespmem:$0x12080] =	vst v63  }
0xe5: {  	s22 =	simm.s32 $0x10080;
	s23 =	simm.s32 $0x40  }
0xe6: {  	[hbm4b:s24+s23] =	stream.indirect.scatter [tilespmem:s22], [sflag:$0x1], $0x80, s3, s23, $0xb8;
	[tilespmem:$0x12080] =	vst v63  }
0xe7: {  	p0 =	sne.s32 s8, $0x1;
	_ =	swait.ge [sflag:s11], $0x10000  }
.Ltmp0:
0xe8: {  	[sflag:s11] =	ssyncset.done $0x0;
	(pc) =	sbr.rel @p0 .LBB2_1-.Ltmp0, $4  }
0xe9: {  	[sflag:s11] =	ssyncadd.s32 $0xFFFF0000  }
0xea: {  	_ =	swait.ge [sflag:s11], $0x2000  }
0xeb: {  	[sflag:s11] =	ssyncset.done $0x0  }
0xec: {  	s8 =	sadd.s32 $0xFFFFFFFF, s8;
	[sflag:s11] =	ssyncadd.s32 $0xFFFFE000  }
0xed: {  	_ =	sfence.sel $0x180000  }
0xee: {  	[bflag:$0x0] =	sbarrier.arrive $0xFFFF  }
0xef: {  	_ =	strace $0x90000047  }
0xf0: {  	s0 =	stileid.u32;
	[bflag:$0x2] =	sbarrier.arrive $0xFFFF  }
0xf1: {  	p0 =	sne.s32 s0, $0x0;
	s0 =	rddreg [dreg:$0x3]  }
0xf2: {  	s0 =	sadd.s32 @!p0 $0x100000, s0  }
0xf3: {  	[sflag:s0] =	ssyncadd.tile.s32 @!p0 $0x1;
	_ =	shalt  }
.Lfunc_end2:
_tile_overlayer_lowered:
.L_overlay_start_2:
0xf4: {  	(tag) =	ssettag $0x2  }
0xf5: {  	s0 =	rddreg [dreg:$0x0];
	s2 =	stileid.u32  }
0xf6: {  	s1 =	rddreg [dreg:$0x1];
	p0 =	sne.s32 s2, $0x0  }
0xf7: {  	s3 =	rddreg [dreg:$0x2];
	[bflag:$0x3] =	sbarrier.arrive $0xFFFF;
	s2 =	simm.s32 @!p0 $0x1C02  }
0xf8: {  	[timem:s3], [sflag:s2] =	dma.local @!p0 [hbm:s0], s1  }
0xf9: {  	s0 =	simm.s32 @!p0 $0x2  }
0xfa: {  	_ =	swait.ge @!p0 [sflag:s0], s1  }
0xfb: {  	s1 =	ssub.s32 @!p0 $0x0, s1;
	[sflag:s0] =	ssyncset.done @!p0 $0x0  }
0xfc: {  	[sflag:s0] =	ssyncadd.s32 @!p0 s1  }
0xfd: {  	[bflag:$0x3] =	sbarrier.arrive $0xFFFF  }
0xfe: {  	_ =	shalt  }

// kernel: kernel.9.cloned.1.call-start
scs
__scs_entry_jumppad:
0x0: {  	(pc) =	sbr.rel $0x88, $3  }
0x1: {  	(tag) =	ssettag $0x0;
	lr =	simm.s32 $0x1  }
0x2: {  	[smem:$0x3F9C] =	sst lr;
	_ =	strace $0xD0000000  }
0x3: {  	_ = 	snop  }
0x4: {  	_ = 	snop  }
0x5: {  	_ = 	snop  }
0x6: {  	_ = 	snop  }
0x7: {  	_ = 	snop  }
__scs_overlays_trampoline_lowered:
0x8: {  	[smem:$0x3FAB] =	sst s0  }
0x9: {  	[smem:$0x3FAC] =	sst s1  }
0xa: {  	[smem:$0x3FAD] =	sst s2  }
0xb: {  	[smem:$0x3FAE] =	sst s3  }
0xc: {  	[smem:$0x3FAF] =	sst s4  }
0xd: {  	[smem:$0x3FB0] =	sst s5  }
0xe: {  	[smem:$0x3FB1] =	sst s6  }
0xf: {  	[smem:$0x3FB2] =	sst s7  }
0x10: {  	[smem:$0x3FB3] =	sst s8  }
0x11: {  	[smem:$0x3FB4] =	sst s9;
	s0 =	simm.s32 @!p0 $0x0  }
0x12: {  	s1 =	sld [smem:$0x3F9A];
	s0 =	simm.s32 @p0 $0x1  }
0x13: {  	[smem:$0x3FB5] =	sst s0;
	s0 =	simm.s32 @!p1 $0x0  }
0x14: {  	s2 =	sld [smem:$0x3F99];
	s0 =	simm.s32 @p1 $0x1  }
0x15: {  	[smem:$0x3FB6] =	sst s0;
	s0 =	simm.s32 @!p2 $0x0  }
0x16: {  	s3 =	sld [smem:$0x3FDB];
	s0 =	simm.s32 @p2 $0x1  }
0x17: {  	s4 =	simm.s32 $0x1BF5;
	[smem:$0x3FB8] =	sst s0  }
0x18: {  	s0 =	sld [smem:$0x3F9B];
	_ =	swait.ge [sflag:s4], $0x0  }
0x19: {  	s7 =	sld [smem:$0x3F9C]  }
0x1a: {  	s8 =	sadd.s32 $0xFFFFE003, lr  }
0x1b: {  	s9 =	sadd.s32 $0xFFFFFEF7, lr;
	s5 =	simm.s32 $0xFFFFFFFF;
	p2 =	slt.u32 s8, $0xFFFFF086  }
0x1c: {  	p1 =	slt.u32 s9, $0xF7A;
	s5 =	simm.s32 @!p2 $0x0  }
0x1d: {  	s5 =	simm.s32 @p1 $0x1;
	p0 =	seq.s32 s7, s2  }
0x1e: {  	s7 =	smul.u32 @!p0 $0xF7A, s2;
	p2 =	seq.s32 @!p0 s5, $0x0  }
0x1f: {  	s9 =	smul.u32 $0xF7A, s1;
	s8 =	simm.s32 @!p0 $0x1BF5;
	p2 =	por !p2, p0  }
0x20: {  	[sflag:s8] =	ssyncset.s32 @!p0 $0xFFFFF086;
	s6 =	sadd.s32 @!p0 s3, s7;
	s7 =	simm.s32 @!p0 $0x108  }
0x21: {  	s3 =	sadd.s32 s3, s9;
	s6 =	sadd.s32 @!p0 $0x88, s6;
	s7 =	simm.s32 @p2 $0x1082  }
0x22: {  	[simem:s7], [sflag:s8] =	dma.local @!p0 [hbm:s6], $0xF7A  }
0x23: {  	s9 =	sor.u32 $0xD0000000, s2;
	s6 =	simm.s32 $0x108;
	_ =	swait.ge @!p0 [sflag:s8], $0x0  }
0x24: {  	s3 =	sadd.s32 $0x88, s3;
	s6 =	simm.s32 @!p1 $0x1082;
	[sflag:s4] =	ssyncset.s32 $0xFFFFF086  }
0x25: {  	[simem:s6], [sflag:s4] =	dma.local [hbm:s3], $0xF7A  }
0x26: {  	[smem:$0x3F9C] =	sst s1;
	(tag) =	ssettag s2;
	_ =	strace s9  }
0x27: {  	s1 =	sld [smem:$0x3FAC]  }
0x28: {  	s2 =	sld [smem:$0x3FAD]  }
0x29: {  	s4 =	sld [smem:$0x3FAF]  }
0x2a: {  	p0 =	seq.s32 s5, $0x0;
	s5 =	sld [smem:$0x3FB0]  }
0x2b: {  	s6 =	sld [smem:$0x3FB1]  }
0x2c: {  	s7 =	sld [smem:$0x3FB2]  }
0x2d: {  	s3 =	simm.s32 $0x108;
	s8 =	sld [smem:$0x3FB3]  }
0x2e: {  	s3 =	simm.s32 @!p0 $0x1082;
	s9 =	sld [smem:$0x3FB4]  }
0x2f: {  	lr =	sadd.s32 s0, s3;
	s0 =	sld [smem:$0x3FAB]  }
0x30: {  	s3 =	sld [smem:$0x3FAE]  }
0x31: {  	[smem:$0x3FB7] =	sst s10  }
0x32: {  	s10 =	sld [smem:$0x3FB5];
	_ =	sdelay $0x3  }
0x33: {  	p0 =	seq.s32 s10, $0x1;
	s10 =	sld [smem:$0x3FB7];
	_ =	sdelay $0x3  }
0x34: {  	[smem:$0x3FB7] =	sst s10  }
0x35: {  	s10 =	sld [smem:$0x3FB6];
	_ =	sdelay $0x3  }
0x36: {  	p1 =	seq.s32 s10, $0x1;
	s10 =	sld [smem:$0x3FB7];
	_ =	sdelay $0x3  }
0x37: {  	[smem:$0x3FB7] =	sst s10  }
0x38: {  	s10 =	sld [smem:$0x3FB8]  }
0x39: {  	_ = 	snop;
	(pc) =	sbr.ind lr, $3  }
0x3a: {  	_ = 	snop  }
0x3b: {  	_ = 	snop  }
0x3c: {  	p2 =	seq.s32 s10, $0x1;
	s10 =	sld [smem:$0x3FB7]  }
0x3d: {  	_ =	shalt  }
0x3e: {  	_ =	shalt  }
0x3f: {  	_ =	shalt  }
0x40: {  	_ =	shalt  }
0x41: {  	_ =	shalt  }
0x42: {  	_ =	shalt  }
0x43: {  	_ =	shalt  }
0x44: {  	_ =	shalt  }
0x45: {  	_ =	shalt  }
0x46: {  	_ =	shalt  }
0x47: {  	_ =	shalt  }
0x48: {  	_ =	shalt  }
0x49: {  	_ =	shalt  }
0x4a: {  	_ =	shalt  }
0x4b: {  	_ =	shalt  }
0x4c: {  	_ =	shalt  }
0x4d: {  	_ =	shalt  }
0x4e: {  	_ =	shalt  }
0x4f: {  	_ =	shalt  }
0x50: {  	_ =	shalt  }
0x51: {  	_ =	shalt  }
0x52: {  	_ =	shalt  }
0x53: {  	_ =	shalt  }
0x54: {  	_ =	shalt  }
0x55: {  	_ =	shalt  }
0x56: {  	_ =	shalt  }
0x57: {  	_ =	shalt  }
0x58: {  	_ =	shalt  }
0x59: {  	_ =	shalt  }
0x5a: {  	_ =	shalt  }
0x5b: {  	_ =	shalt  }
0x5c: {  	_ =	shalt  }
0x5d: {  	_ =	shalt  }
0x5e: {  	_ =	shalt  }
0x5f: {  	_ =	shalt  }
0x60: {  	_ =	shalt  }
0x61: {  	_ =	shalt  }
0x62: {  	_ =	shalt  }
0x63: {  	_ =	shalt  }
0x64: {  	_ =	shalt  }
0x65: {  	_ =	shalt  }
0x66: {  	_ =	shalt  }
0x67: {  	_ =	shalt  }
0x68: {  	_ =	shalt  }
0x69: {  	_ =	shalt  }
0x6a: {  	_ =	shalt  }
0x6b: {  	_ =	shalt  }
0x6c: {  	_ =	shalt  }
0x6d: {  	_ =	shalt  }
0x6e: {  	_ =	shalt  }
0x6f: {  	_ =	shalt  }
0x70: {  	_ =	shalt  }
0x71: {  	_ =	shalt  }
0x72: {  	_ =	shalt  }
0x73: {  	_ =	shalt  }
0x74: {  	_ =	shalt  }
0x75: {  	_ =	shalt  }
0x76: {  	_ =	shalt  }
0x77: {  	_ =	shalt  }
0x78: {  	_ =	shalt  }
0x79: {  	_ =	shalt  }
0x7a: {  	_ =	shalt  }
0x7b: {  	_ =	shalt  }
0x7c: {  	_ =	shalt  }
0x7d: {  	_ =	shalt  }
0x7e: {  	_ =	shalt  }
0x7f: {  	_ =	shalt  }
0x80: {  	_ =	shalt  }
0x81: {  	_ =	shalt  }
0x82: {  	_ =	shalt  }
0x83: {  	_ =	shalt  }
0x84: {  	_ =	shalt  }
0x85: {  	_ =	shalt  }
0x86: {  	_ =	shalt  }
0x87: {  	_ =	shalt  }
.Lfunc_end0:
.L_simem_size_0:
called_computation.1_lowered:
.L_overlay_start_0:
0x88: {  	s2 =	sld [smem:$0x3FD9]  }
0x89: {  	s3 =	sld [smem:$0x3FFE];
	_ =	sdelay $0x1  }
0x8a: {  	s1 =	srdreg.scid  }
0x8b: {  	s0 =	sand.u32 $0x1, s1  }
0x8c: {  	s17 =	sshll.u32 s0, $0xA;
	s2 =	sadd.s32 s3, s2  }
0x8d: {  	s2 =	sadd.s32 s2, s17  }
0x8e: {  	[smem:$0x3FC3] =	sst s2  }
0x8f: {  	_ = 	snop  }
0x90: {  	s2 =	sld [smem:$0x3FD0];
	(tm) =	ssettm $0x1  }
0x91: {  	s18 =	sld [smem:$0x3FFB];
	_ =	sdelay $0x3  }
0x92: {  	_ =	strace s18  }
0x93: {  	s3 =	sld [smem:$0x3FFC];
	_ =	sdelay $0x3  }
0x94: {  	_ =	strace s3  }
0x95: {  	s3 =	sld [smem:$0x3FFD];
	_ =	sdelay $0x3  }
0x96: {  	_ =	strace s3  }
0x97: {  	_ =	strace $0x8FFFFFFF  }
0x98: {  	s19 =	sld [smem:$0x3FDB];
	_ =	sdelay $0x1  }
0x99: {  	s4 =	simm.s32 $_scs_section_size  }
0x9a: {  	s5 =	simm.s32 $_size__tile_overlayer_lowered;
	s6 =	simm.s32 $_tile_overlayer_lowered  }
0x9b: {  	s22 =	simm.s32 $0x1BFF;
	s21 =	sshll.u32 s6, $0x1;
	s3 =	sadd.s32 s4, s19  }
0x9c: {  	s7 =	simm.s32 $0x0;
	s20 =	sshll.u32 s5, $0x1;
	s5 =	sadd.s32 s21, s3  }
0x9d: {  	[timem:s7], [sflag:s22] =	dma.local [hbm:s5], s20  }
0x9e: {  	_ =	swait.ge [sflag:s22], s20  }
0x9f: {  	s4 =	ssub.s32 $0x0, s20;
	[sflag:s22] =	ssyncset.done $0x0  }
0xa0: {  	[sflag:s22] =	ssyncadd.s32 s4;
	_ =	sdelay $0x1  }
0xa1: {  	s23 =	simm.s32 $0x1B8B  }
0xa2: {  	_ =	swait.ge [sflag:s23], $0x1  }
0xa3: {  	[sflag:s23] =	ssyncset.done $0x0  }
0xa4: {  	s25 =	simm.s32 $0x1B8E;
	s24 =	sld [smem:$0x3FFE];
	[sflag:s23] =	ssyncadd.s32 $0xFFFFFFFF  }
0xa5: {  	s26 =	simm.s32 $execute0_lowered;
	[smem:$0x3FD2] =	sst s25  }
0xa6: {  	s5 =	sshll.u32 s26, $0x1;
	_ =	strace $0x80000049;
	[dreg:$0x1] =	wrdreg $0xFFFFFFFF  }
0xa7: {  	s28 =	simm.s32 $_size_execute0_lowered;
	s3 =	sadd.s32 s3, s5;
	[dreg:$0x0] =	wrdreg $0x0  }
0xa8: {  	s5 =	sshll.u32 s28, $0x1;
	[dreg:$0x2] =	wrdreg s3  }
0xa9: {  	[dreg:$0x3] =	wrdreg s5  }
0xaa: {  	[dreg:$0x4] =	wrdreg $0xC0  }
0xab: {  	_ =	task [dreg:s7], $0x5FFFF  }
0xac: {  	[dreg:$0x1] =	wrdreg $0xFFFFFFFF  }
0xad: {  	[dreg:$0x0] =	wrdreg $0x60  }
0xae: {  	[dreg:$0x2] =	wrdreg s24  }
0xaf: {  	[dreg:$0x3] =	wrdreg s2  }
0xb0: {  	[dreg:$0x4] =	wrdreg $0x9  }
0xb1: {  	_ =	task.clear_ibuf [dreg:s7], $0x5FFFF;
	_ =	strace $0x90000049  }
0xb2: {  	s29 =	simm.s32 $0x9;
	_ =	strace $0x8000004B  }
0xb3: {  	_ =	swait.ge [sflag:s29], $0x1  }
0xb4: {  	[sflag:s29] =	ssyncadd.s32 $0xFFFFFFFF  }
0xb5: {  	_ =	strace $0x9000004B  }
0xb6: {  	_ =	sfence  }
0xb7: {  	s30 =	sld [smem:$0x0];
	_ =	sdelay $0x2  }
0xb8: {  	s31 =	sshll.u32 s1, $0xD;
	s1 =	sshrl.u32 s1, $0x2  }
0xb9: {  	s3 =	sand.u32 $0x4000, s31;
	s1 =	sadd.s32 s1, s30  }
0xba: {  	s0 =	sor.u32 s3, s0;
	s1 =	sshll.u32 s1, $0x11  }
0xbb: {  	s0 =	sor.u32 s1, s0  }
0xbc: {  	s0 =	sadd.s32 $0x8F2B, s0  }
0xbd: {  	[sflag:s0] =	ssyncadd.remote.s32 $0x1  }
0xbe: {  	_ =	sfence.sel $0xFFFF  }
0xbf: {  	[dreg:$0x0] =	wrdreg $0xFFFFFFFF;
	(pc) =	sbr.abs _section_cstart, $3  }
0xc0: {  	[dreg:$0x1] =	wrdreg $0xFFFFFFFF  }
0xc1: {  	_ =	task.clear_ibuf [dreg:s7], $0x2FFFF;
	_ =	strace $0x9FFFFFFF  }
0xc2: {  	(tm) =	ssettm $0x7FFFFFFF  }
0xc3: {  	_ =	shalt  }
tec
execute0_lowered:
.L_overlay_start_1:
0x0: {  	(tag) =	ssettag $0x1  }
0x1: {  	s0 =	rddreg [dreg:$0x0]  }
0x2: {  	s1 =	rddreg [dreg:$0x1]  }
0x3: {  	s3 =	srdreg.scid;
	s2 =	simm.s32 $0x0;
	s4 =	stileid.u32  }
0x4: {  	s19 =	simm.s32 $0x880;
	s20 =	simm.s32 $0x1080;
	s21 =	simm.s32 $0x1880  }
0x5: {  	s28 =	simm.s32 $0x4880;
	s29 =	simm.s32 $0x5080;
	s30 =	simm.s32 $0x5880  }
0x6: {  	s31 =	simm.s32 $0x6080;
	s10 =	simm.s32 $0x7880;
	s11 =	simm.s32 $0x8080  }
0x7: {  	s12 =	simm.s32 $0x8880;
	s13 =	simm.s32 $0x9080;
	s14 =	simm.s32 $0x9880  }
0x8: {  	s15 =	simm.s32 $0xA080;
	s16 =	simm.s32 $0xA880;
	s17 =	simm.s32 $0xB080  }
0x9: {  	s3 =	sand.u32 $0x1, s3;
	[smem:$0x7FF] =	sst s2;
	s4 =	sshll.u32 s4, $0x8  }
0xa: {  	s22 =	sadd.s32 $0x11800, s0;
	s5 =	sshll.u32 s3, $0x7;
	_ =	strace $0x8000004A  }
0xb: {  	s6 =	ssub.s32 $0x2, s3;
	s3 =	sadd.s32 $0xD1C00, s0;
	s4 =	sor.u32 s5, s4  }
0xc: {  	s7 =	sshrl.u32 s6, $0x1;
	s5 =	sadd.s32 $0xD1E00, s0;
	s8 =	sshrl.u32 s4, $0x3  }
0xd: {  	s7 =	ssub.s32 s6, s7;
	s24 =	sshll.u32 s4, $0x7;
	s25 =	sor.u32 $0x40, s4  }
0xe: {  	s4 =	sadd.s32 $0xD1D00, s0;
	s23 =	sadd.s32 s22, s8;
	s6 =	sadd.s32 s1, s24  }
0xf: {  	s9 =	sshrl.u32 s25, $0x3;
	s8 =	sshll.u32 s25, $0x7;
	s7 =	smax.u32 s7, $0x1  }
0x10: {  	s24 =	simm.s32 $0x3080;
	s25 =	simm.s32 $0x3880;
	[dreg:$0x3] =	wrdreg s23  }
0x11: {  	[dreg:$0x4] =	wrdreg s6;
	s26 =	sadd.s32 s22, s9;
	s1 =	sadd.s32 s1, s8  }
0x12: {  	v2 =	vlaneseq.u32;
	s6 =	sadd.s32 $0xD1F00, s0;
	s8 =	simm.s32 $0x1;
	s0 =	simm.s32 $0x80  }
0x13: {  	vm0 =	vmmov $0xffff;
	v1 =	vshrl.u32 v2, $0x3;
	s22 =	simm.s32 $0x2080;
	s23 =	simm.s32 $0x2880;
	[dreg:$0x5] =	wrdreg s26  }
0x14: {  	v0 =	vand.u32 $0x7, v2;
	v2 =	vor.u32 $0x8, v2;
	v1 =	vmul.u32 $0x8, v1;
	s9 =	simm.s32 $0xB880;
	[dreg:$0x6] =	wrdreg s1;
	s26 =	simm.s32 $0x4080  }
.LBB2_1:
0x15: {  	s18 =	rddreg [dreg:$0x3]  }
0x16: {  	[tilespmem:s2], [sflag:$0x1] =	stream.linear.gather [hbm4b:s18+s2], $0x40, $0x38;
	[tilespmem:$0x10080] =	vst v63  }
0x17: {  	_ =	swait.ge [sflag:s8], $0x40  }
0x18: {  	[sflag:s8] =	ssyncset.done $0x0  }
0x19: {  	[sflag:s8] =	ssyncadd.s32 $0xFFFFFFC0  }
0x1a: {  	v3 =	vld [tilespmem:$0x0];
	_ =	sdelay $0x4  }
0x1b: {  	v4 =	vshll.u32 v3, $0x3  }
0x1c: {  	v3 =	vand.u32 $0x7, v3;
	v4 =	vand.u32 $0xFFFFFFC0, v4  }
0x1d: {  	v3 =	vor.u32 v3, v4  }
0x1e: {  	v4 =	vperm.xlane v3, v0;
	_ =	sdelay $0x1  }
0x1f: {  	v4 =	vadd.s32 v1, v4;
	_ =	sdelay $0x4  }
0x20: {  	[tilespmem:s0], [sflag:$0x1] =	stream.indirect_vreg.gather [hbm4b:s3+s2], $0x80, v4, vm0, $0xb8;
	[tilespmem:$0x10080] =	vst v63  }
0x21: {  	v3 =	vperm.xlane v3, v2  }
0x22: {  	[tilespmem:s19], [sflag:$0x1] =	stream.indirect_vreg.gather [hbm4b:s4+s2], $0x80, v4, vm0, $0xb8;
	[tilespmem:$0x10080] =	vst v63  }
0x23: {  	v3 =	vadd.s32 v1, v3  }
0x24: {  	[tilespmem:s20], [sflag:$0x1] =	stream.indirect_vreg.gather [hbm4b:s5+s2], $0x80, v4, vm0, $0xb8;
	[tilespmem:$0x10080] =	vst v63  }
0x25: {  	_ = 	snop  }
0x26: {  	[tilespmem:s21], [sflag:$0x1] =	stream.indirect_vreg.gather [hbm4b:s6+s2], $0x80, v4, vm0, $0xb8;
	[tilespmem:$0x10080] =	vst v63  }
0x27: {  	_ = 	snop  }
0x28: {  	[tilespmem:s22], [sflag:$0x1] =	stream.indirect_vreg.gather [hbm4b:s3+s2], $0x80, v3, vm0, $0xb8;
	[tilespmem:$0x10080] =	vst v63  }
0x29: {  	_ = 	snop  }
0x2a: {  	[tilespmem:s23], [sflag:$0x1] =	stream.indirect_vreg.gather [hbm4b:s4+s2], $0x80, v3, vm0, $0xb8;
	[tilespmem:$0x10080] =	vst v63  }
0x2b: {  	_ = 	snop  }
0x2c: {  	[tilespmem:s24], [sflag:$0x1] =	stream.indirect_vreg.gather [hbm4b:s5+s2], $0x80, v3, vm0, $0xb8;
	[tilespmem:$0x10080] =	vst v63  }
0x2d: {  	_ = 	snop  }
0x2e: {  	[tilespmem:s25], [sflag:$0x1] =	stream.indirect_vreg.gather [hbm4b:s6+s2], $0x80, v3, vm0, $0xb8;
	[tilespmem:$0x10080] =	vst v63  }
0x2f: {  	v3 =	vld [tilespmem:$0x10];
	_ =	sdelay $0x4  }
0x30: {  	v57 =	vshll.u32 v3, $0x3  }
0x31: {  	v3 =	vand.u32 $0x7, v3;
	v4 =	vand.u32 $0xFFFFFFC0, v57  }
0x32: {  	v3 =	vor.u32 v3, v4  }
0x33: {  	v4 =	vperm.xlane v3, v0;
	_ =	sdelay $0x1  }
0x34: {  	v4 =	vadd.s32 v1, v4;
	_ =	sdelay $0x4  }
0x35: {  	[tilespmem:s26], [sflag:$0x1] =	stream.indirect_vreg.gather [hbm4b:s3+s2], $0x80, v4, vm0, $0xb8;
	[tilespmem:$0x10080] =	vst v63  }
0x36: {  	v3 =	vperm.xlane v3, v2  }
0x37: {  	[tilespmem:s28], [sflag:$0x1] =	stream.indirect_vreg.gather [hbm4b:s4+s2], $0x80, v4, vm0, $0xb8;
	[tilespmem:$0x10080] =	vst v63  }
0x38: {  	v3 =	vadd.s32 v1, v3  }
0x39: {  	[tilespmem:s29], [sflag:$0x1] =	stream.indirect_vreg.gather [hbm4b:s5+s2], $0x80, v4, vm0, $0xb8;
	[tilespmem:$0x10080] =	vst v63  }
0x3a: {  	_ = 	snop  }
0x3b: {  	[tilespmem:s30], [sflag:$0x1] =	stream.indirect_vreg.gather [hbm4b:s6+s2], $0x80, v4, vm0, $0xb8;
	[tilespmem:$0x10080] =	vst v63  }
0x3c: {  	_ = 	snop  }
0x3d: {  	[tilespmem:s31], [sflag:$0x1] =	stream.indirect_vreg.gather [hbm4b:s3+s2], $0x80, v3, vm0, $0xb8;
	[tilespmem:$0x10080] =	vst v63  }
0x3e: {  	s1 =	simm.s32 $0x6880  }
0x3f: {  	[tilespmem:s1], [sflag:$0x1] =	stream.indirect_vreg.gather [hbm4b:s4+s2], $0x80, v3, vm0, $0xb8;
	[tilespmem:$0x10080] =	vst v63  }
0x40: {  	s1 =	simm.s32 $0x7080  }
0x41: {  	[tilespmem:s1], [sflag:$0x1] =	stream.indirect_vreg.gather [hbm4b:s5+s2], $0x80, v3, vm0, $0xb8;
	[tilespmem:$0x10080] =	vst v63  }
0x42: {  	_ = 	snop  }
0x43: {  	[tilespmem:s10], [sflag:$0x1] =	stream.indirect_vreg.gather [hbm4b:s6+s2], $0x80, v3, vm0, $0xb8;
	[tilespmem:$0x10080] =	vst v63  }
0x44: {  	v3 =	vld [tilespmem:$0x20];
	_ =	sdelay $0x4  }
0x45: {  	v58 =	vshll.u32 v3, $0x3  }
0x46: {  	v3 =	vand.u32 $0x7, v3;
	v4 =	vand.u32 $0xFFFFFFC0, v58  }
0x47: {  	v3 =	vor.u32 v3, v4  }
0x48: {  	v4 =	vperm.xlane v3, v0;
	_ =	sdelay $0x1  }
0x49: {  	v4 =	vadd.s32 v1, v4;
	_ =	sdelay $0x4  }
0x4a: {  	[tilespmem:s11], [sflag:$0x1] =	stream.indirect_vreg.gather [hbm4b:s3+s2], $0x80, v4, vm0, $0xb8;
	[tilespmem:$0x10080] =	vst v63  }
0x4b: {  	v3 =	vperm.xlane v3, v2  }
0x4c: {  	[tilespmem:s12], [sflag:$0x1] =	stream.indirect_vreg.gather [hbm4b:s4+s2], $0x80, v4, vm0, $0xb8;
	[tilespmem:$0x10080] =	vst v63  }
0x4d: {  	v3 =	vadd.s32 v1, v3  }
0x4e: {  	[tilespmem:s13], [sflag:$0x1] =	stream.indirect_vreg.gather [hbm4b:s5+s2], $0x80, v4, vm0, $0xb8;
	[tilespmem:$0x10080] =	vst v63  }
0x4f: {  	_ = 	snop  }
0x50: {  	[tilespmem:s14], [sflag:$0x1] =	stream.indirect_vreg.gather [hbm4b:s6+s2], $0x80, v4, vm0, $0xb8;
	[tilespmem:$0x10080] =	vst v63  }
0x51: {  	_ = 	snop  }
0x52: {  	[tilespmem:s15], [sflag:$0x1] =	stream.indirect_vreg.gather [hbm4b:s3+s2], $0x80, v3, vm0, $0xb8;
	[tilespmem:$0x10080] =	vst v63  }
0x53: {  	_ = 	snop  }
0x54: {  	[tilespmem:s16], [sflag:$0x1] =	stream.indirect_vreg.gather [hbm4b:s4+s2], $0x80, v3, vm0, $0xb8;
	[tilespmem:$0x10080] =	vst v63  }
0x55: {  	_ = 	snop  }
0x56: {  	[tilespmem:s17], [sflag:$0x1] =	stream.indirect_vreg.gather [hbm4b:s5+s2], $0x80, v3, vm0, $0xb8;
	[tilespmem:$0x10080] =	vst v63  }
0x57: {  	_ = 	snop  }
0x58: {  	[tilespmem:s9], [sflag:$0x1] =	stream.indirect_vreg.gather [hbm4b:s6+s2], $0x80, v3, vm0, $0xb8;
	[tilespmem:$0x10080] =	vst v63  }
0x59: {  	v3 =	vld [tilespmem:$0x30];
	_ =	sdelay $0x4  }
0x5a: {  	v59 =	vshll.u32 v3, $0x3  }
0x5b: {  	v3 =	vand.u32 $0x7, v3;
	v4 =	vand.u32 $0xFFFFFFC0, v59  }
0x5c: {  	v3 =	vor.u32 v3, v4  }
0x5d: {  	v4 =	vperm.xlane v3, v0;
	_ =	sdelay $0x1  }
0x5e: {  	v4 =	vadd.s32 v1, v4;
	_ =	sdelay $0x3  }
0x5f: {  	s18 =	simm.s32 $0xC080  }
0x60: {  	[tilespmem:s18], [sflag:$0x1] =	stream.indirect_vreg.gather [hbm4b:s3+s2], $0x80, v4, vm0, $0xb8;
	[tilespmem:$0x10080] =	vst v63  }
0x61: {  	v3 =	vperm.xlane v3, v2;
	s18 =	simm.s32 $0xC880  }
0x62: {  	[tilespmem:s18], [sflag:$0x1] =	stream.indirect_vreg.gather [hbm4b:s4+s2], $0x80, v4, vm0, $0xb8;
	[tilespmem:$0x10080] =	vst v63  }
0x63: {  	v3 =	vadd.s32 v1, v3;
	s18 =	simm.s32 $0xD080  }
0x64: {  	[tilespmem:s18], [sflag:$0x1] =	stream.indirect_vreg.gather [hbm4b:s5+s2], $0x80, v4, vm0, $0xb8;
	[tilespmem:$0x10080] =	vst v63  }
0x65: {  	s18 =	simm.s32 $0xD880  }
0x66: {  	[tilespmem:s18], [sflag:$0x1] =	stream.indirect_vreg.gather [hbm4b:s6+s2], $0x80, v4, vm0, $0xb8;
	[tilespmem:$0x10080] =	vst v63  }
0x67: {  	s18 =	simm.s32 $0xE080  }
0x68: {  	[tilespmem:s18], [sflag:$0x1] =	stream.indirect_vreg.gather [hbm4b:s3+s2], $0x80, v3, vm0, $0xb8;
	[tilespmem:$0x10080] =	vst v63  }
0x69: {  	s18 =	simm.s32 $0xE880  }
0x6a: {  	[tilespmem:s18], [sflag:$0x1] =	stream.indirect_vreg.gather [hbm4b:s4+s2], $0x80, v3, vm0, $0xb8;
	[tilespmem:$0x10080] =	vst v63  }
0x6b: {  	s18 =	simm.s32 $0xF080  }
0x6c: {  	[tilespmem:s18], [sflag:$0x1] =	stream.indirect_vreg.gather [hbm4b:s5+s2], $0x80, v3, vm0, $0xb8;
	[tilespmem:$0x10080] =	vst v63  }
0x6d: {  	s18 =	simm.s32 $0xF880  }
0x6e: {  	[tilespmem:s18], [sflag:$0x1] =	stream.indirect_vreg.gather [hbm4b:s6+s2], $0x80, v3, vm0, $0xb8;
	[tilespmem:$0x10080] =	vst v63  }
0x6f: {  	_ =	swait.ge [sflag:s8], $0x10000  }
0x70: {  	[sflag:s8] =	ssyncset.done $0x0  }
0x71: {  	s18 =	rddreg [dreg:$0x4];
	[sflag:s8] =	ssyncadd.s32 $0xFFFF0000  }
0x72: {  	[hbm4b:s18+s2] =	stream.linear.scatter [tilespmem:s0], [sflag:$0x1], $0x10000, $0x38;
	[tilespmem:$0x10080] =	vst v63  }
0x73: {  	_ =	swait.ge [sflag:s8], $0x10000  }
0x74: {  	[sflag:s8] =	ssyncset.done $0x0  }
0x75: {  	s18 =	rddreg [dreg:$0x5];
	[sflag:s8] =	ssyncadd.s32 $0xFFFF0000  }
0x76: {  	[tilespmem:s2], [sflag:$0x1] =	stream.linear.gather [hbm4b:s18+s2], $0x40, $0x38;
	[tilespmem:$0x10080] =	vst v63  }
0x77: {  	_ =	swait.ge [sflag:s8], $0x40  }
0x78: {  	[sflag:s8] =	ssyncset.done $0x0  }
0x79: {  	[sflag:s8] =	ssyncadd.s32 $0xFFFFFFC0  }
0x7a: {  	v3 =	vld [tilespmem:$0x0];
	_ =	sdelay $0x4  }
0x7b: {  	v60 =	vshll.u32 v3, $0x3  }
0x7c: {  	v3 =	vand.u32 $0x7, v3;
	v4 =	vand.u32 $0xFFFFFFC0, v60  }
0x7d: {  	v3 =	vor.u32 v3, v4  }
0x7e: {  	v4 =	vperm.xlane v3, v0;
	_ =	sdelay $0x1  }
0x7f: {  	v4 =	vadd.s32 v1, v4;
	_ =	sdelay $0x4  }
0x80: {  	[tilespmem:s0], [sflag:$0x1] =	stream.indirect_vreg.gather [hbm4b:s3+s2], $0x80, v4, vm0, $0xb8;
	[tilespmem:$0x10080] =	vst v63  }
0x81: {  	v3 =	vperm.xlane v3, v2  }
0x82: {  	[tilespmem:s19], [sflag:$0x1] =	stream.indirect_vreg.gather [hbm4b:s4+s2], $0x80, v4, vm0, $0xb8;
	[tilespmem:$0x10080] =	vst v63  }
0x83: {  	v3 =	vadd.s32 v1, v3  }
0x84: {  	[tilespmem:s20], [sflag:$0x1] =	stream.indirect_vreg.gather [hbm4b:s5+s2], $0x80, v4, vm0, $0xb8;
	[tilespmem:$0x10080] =	vst v63  }
0x85: {  	_ = 	snop  }
0x86: {  	[tilespmem:s21], [sflag:$0x1] =	stream.indirect_vreg.gather [hbm4b:s6+s2], $0x80, v4, vm0, $0xb8;
	[tilespmem:$0x10080] =	vst v63  }
0x87: {  	_ = 	snop  }
0x88: {  	[tilespmem:s22], [sflag:$0x1] =	stream.indirect_vreg.gather [hbm4b:s3+s2], $0x80, v3, vm0, $0xb8;
	[tilespmem:$0x10080] =	vst v63  }
0x89: {  	_ = 	snop  }
0x8a: {  	[tilespmem:s23], [sflag:$0x1] =	stream.indirect_vreg.gather [hbm4b:s4+s2], $0x80, v3, vm0, $0xb8;
	[tilespmem:$0x10080] =	vst v63  }
0x8b: {  	_ = 	snop  }
0x8c: {  	[tilespmem:s24], [sflag:$0x1] =	stream.indirect_vreg.gather [hbm4b:s5+s2], $0x80, v3, vm0, $0xb8;
	[tilespmem:$0x10080] =	vst v63  }
0x8d: {  	_ = 	snop  }
0x8e: {  	[tilespmem:s25], [sflag:$0x1] =	stream.indirect_vreg.gather [hbm4b:s6+s2], $0x80, v3, vm0, $0xb8;
	[tilespmem:$0x10080] =	vst v63  }
0x8f: {  	v3 =	vld [tilespmem:$0x10];
	_ =	sdelay $0x4  }
0x90: {  	v61 =	vshll.u32 v3, $0x3  }
0x91: {  	v3 =	vand.u32 $0x7, v3;
	v4 =	vand.u32 $0xFFFFFFC0, v61  }
0x92: {  	v3 =	vor.u32 v3, v4  }
0x93: {  	v4 =	vperm.xlane v3, v0;
	_ =	sdelay $0x1  }
0x94: {  	v4 =	vadd.s32 v1, v4;
	_ =	sdelay $0x4  }
0x95: {  	[tilespmem:s26], [sflag:$0x1] =	stream.indirect_vreg.gather [hbm4b:s3+s2], $0x80, v4, vm0, $0xb8;
	[tilespmem:$0x10080] =	vst v63  }
0x96: {  	v3 =	vperm.xlane v3, v2  }
0x97: {  	[tilespmem:s28], [sflag:$0x1] =	stream.indirect_vreg.gather [hbm4b:s4+s2], $0x80, v4, vm0, $0xb8;
	[tilespmem:$0x10080] =	vst v63  }
0x98: {  	v3 =	vadd.s32 v1, v3  }
0x99: {  	[tilespmem:s29], [sflag:$0x1] =	stream.indirect_vreg.gather [hbm4b:s5+s2], $0x80, v4, vm0, $0xb8;
	[tilespmem:$0x10080] =	vst v63  }
0x9a: {  	_ = 	snop  }
0x9b: {  	[tilespmem:s30], [sflag:$0x1] =	stream.indirect_vreg.gather [hbm4b:s6+s2], $0x80, v4, vm0, $0xb8;
	[tilespmem:$0x10080] =	vst v63  }
0x9c: {  	_ = 	snop  }
0x9d: {  	[tilespmem:s31], [sflag:$0x1] =	stream.indirect_vreg.gather [hbm4b:s3+s2], $0x80, v3, vm0, $0xb8;
	[tilespmem:$0x10080] =	vst v63  }
0x9e: {  	s18 =	simm.s32 $0x6880  }
0x9f: {  	[tilespmem:s18], [sflag:$0x1] =	stream.indirect_vreg.gather [hbm4b:s4+s2], $0x80, v3, vm0, $0xb8;
	[tilespmem:$0x10080] =	vst v63  }
0xa0: {  	_ = 	snop  }
0xa1: {  	[tilespmem:s1], [sflag:$0x1] =	stream.indirect_vreg.gather [hbm4b:s5+s2], $0x80, v3, vm0, $0xb8;
	[tilespmem:$0x10080] =	vst v63  }
0xa2: {  	_ = 	snop  }
0xa3: {  	[tilespmem:s10], [sflag:$0x1] =	stream.indirect_vreg.gather [hbm4b:s6+s2], $0x80, v3, vm0, $0xb8;
	[tilespmem:$0x10080] =	vst v63  }
0xa4: {  	v3 =	vld [tilespmem:$0x20];
	_ =	sdelay $0x4  }
0xa5: {  	v62 =	vshll.u32 v3, $0x3  }
0xa6: {  	v3 =	vand.u32 $0x7, v3;
	v4 =	vand.u32 $0xFFFFFFC0, v62  }
0xa7: {  	v3 =	vor.u32 v3, v4  }
0xa8: {  	v4 =	vperm.xlane v3, v0;
	_ =	sdelay $0x1  }
0xa9: {  	v4 =	vadd.s32 v1, v4;
	_ =	sdelay $0x4  }
0xaa: {  	[tilespmem:s11], [sflag:$0x1] =	stream.indirect_vreg.gather [hbm4b:s3+s2], $0x80, v4, vm0, $0xb8;
	[tilespmem:$0x10080] =	vst v63  }
0xab: {  	v3 =	vperm.xlane v3, v2  }
0xac: {  	[tilespmem:s12], [sflag:$0x1] =	stream.indirect_vreg.gather [hbm4b:s4+s2], $0x80, v4, vm0, $0xb8;
	[tilespmem:$0x10080] =	vst v63  }
0xad: {  	v3 =	vadd.s32 v1, v3  }
0xae: {  	[tilespmem:s13], [sflag:$0x1] =	stream.indirect_vreg.gather [hbm4b:s5+s2], $0x80, v4, vm0, $0xb8;
	[tilespmem:$0x10080] =	vst v63  }
0xaf: {  	_ = 	snop  }
0xb0: {  	[tilespmem:s14], [sflag:$0x1] =	stream.indirect_vreg.gather [hbm4b:s6+s2], $0x80, v4, vm0, $0xb8;
	[tilespmem:$0x10080] =	vst v63  }
0xb1: {  	_ = 	snop  }
0xb2: {  	[tilespmem:s15], [sflag:$0x1] =	stream.indirect_vreg.gather [hbm4b:s3+s2], $0x80, v3, vm0, $0xb8;
	[tilespmem:$0x10080] =	vst v63  }
0xb3: {  	_ = 	snop  }
0xb4: {  	[tilespmem:s16], [sflag:$0x1] =	stream.indirect_vreg.gather [hbm4b:s4+s2], $0x80, v3, vm0, $0xb8;
	[tilespmem:$0x10080] =	vst v63  }
0xb5: {  	_ = 	snop  }
0xb6: {  	[tilespmem:s17], [sflag:$0x1] =	stream.indirect_vreg.gather [hbm4b:s5+s2], $0x80, v3, vm0, $0xb8;
	[tilespmem:$0x10080] =	vst v63  }
0xb7: {  	_ = 	snop  }
0xb8: {  	[tilespmem:s9], [sflag:$0x1] =	stream.indirect_vreg.gather [hbm4b:s6+s2], $0x80, v3, vm0, $0xb8;
	[tilespmem:$0x10080] =	vst v63  }
0xb9: {  	v3 =	vld [tilespmem:$0x30];
	_ =	sdelay $0x4  }
0xba: {  	v63 =	vshll.u32 v3, $0x3  }
0xbb: {  	v3 =	vand.u32 $0x7, v3;
	v4 =	vand.u32 $0xFFFFFFC0, v63  }
0xbc: {  	v3 =	vor.u32 v3, v4  }
0xbd: {  	v4 =	vperm.xlane v3, v0;
	_ =	sdelay $0x1  }
0xbe: {  	v4 =	vadd.s32 v1, v4;
	_ =	sdelay $0x3  }
0xbf: {  	s18 =	simm.s32 $0xC080  }
0xc0: {  	[tilespmem:s18], [sflag:$0x1] =	stream.indirect_vreg.gather [hbm4b:s3+s2], $0x80, v4, vm0, $0xb8;
	[tilespmem:$0x10080] =	vst v63  }
0xc1: {  	v3 =	vperm.xlane v3, v2;
	s18 =	simm.s32 $0xC880  }
0xc2: {  	[tilespmem:s18], [sflag:$0x1] =	stream.indirect_vreg.gather [hbm4b:s4+s2], $0x80, v4, vm0, $0xb8;
	[tilespmem:$0x10080] =	vst v63  }
0xc3: {  	v3 =	vadd.s32 v1, v3;
	s18 =	simm.s32 $0xD080  }
0xc4: {  	[tilespmem:s18], [sflag:$0x1] =	stream.indirect_vreg.gather [hbm4b:s5+s2], $0x80, v4, vm0, $0xb8;
	[tilespmem:$0x10080] =	vst v63  }
0xc5: {  	s18 =	simm.s32 $0xD880  }
0xc6: {  	[tilespmem:s18], [sflag:$0x1] =	stream.indirect_vreg.gather [hbm4b:s6+s2], $0x80, v4, vm0, $0xb8;
	[tilespmem:$0x10080] =	vst v63  }
0xc7: {  	s18 =	simm.s32 $0xE080  }
0xc8: {  	[tilespmem:s18], [sflag:$0x1] =	stream.indirect_vreg.gather [hbm4b:s3+s2], $0x80, v3, vm0, $0xb8;
	[tilespmem:$0x10080] =	vst v63  }
0xc9: {  	s18 =	simm.s32 $0xE880  }
0xca: {  	[tilespmem:s18], [sflag:$0x1] =	stream.indirect_vreg.gather [hbm4b:s4+s2], $0x80, v3, vm0, $0xb8;
	[tilespmem:$0x10080] =	vst v63  }
0xcb: {  	s18 =	simm.s32 $0xF080  }
0xcc: {  	[tilespmem:s18], [sflag:$0x1] =	stream.indirect_vreg.gather [hbm4b:s5+s2], $0x80, v3, vm0, $0xb8;
	[tilespmem:$0x10080] =	vst v63  }
0xcd: {  	s18 =	simm.s32 $0xF880  }
0xce: {  	[tilespmem:s18], [sflag:$0x1] =	stream.indirect_vreg.gather [hbm4b:s6+s2], $0x80, v3, vm0, $0xb8;
	[tilespmem:$0x10080] =	vst v63  }
0xcf: {  	_ =	swait.ge [sflag:s8], $0x10000  }
0xd0: {  	p0 =	sne.s32 s7, $0x1;
	[sflag:s8] =	ssyncset.done $0x0  }
.Ltmp0:
0xd1: {  	s1 =	rddreg [dreg:$0x6];
	[sflag:s8] =	ssyncadd.s32 $0xFFFF0000;
	(pc) =	sbr.rel @p0 .LBB2_1-.Ltmp0, $4  }
0xd2: {  	[hbm4b:s1+s2] =	stream.linear.scatter [tilespmem:s0], [sflag:$0x1], $0x10000, $0x38;
	[tilespmem:$0x10080] =	vst v63  }
0xd3: {  	_ =	swait.ge [sflag:s8], $0x10000  }
0xd4: {  	[sflag:s8] =	ssyncset.done $0x0  }
0xd5: {  	s7 =	sadd.s32 $0xFFFFFFFF, s7;
	[sflag:s8] =	ssyncadd.s32 $0xFFFF0000  }
0xd6: {  	_ =	sfence.sel $0x180000  }
0xd7: {  	[bflag:$0x0] =	sbarrier.arrive $0xFFFF  }
0xd8: {  	_ =	strace $0x9000004A  }
0xd9: {  	s0 =	stileid.u32;
	[bflag:$0x2] =	sbarrier.arrive $0xFFFF  }
0xda: {  	p0 =	sne.s32 s0, $0x0;
	s0 =	rddreg [dreg:$0x2]  }
0xdb: {  	s0 =	sadd.s32 @!p0 $0x100000, s0  }
0xdc: {  	[sflag:s0] =	ssyncadd.tile.s32 @!p0 $0x1;
	_ =	shalt  }
.Lfunc_end2:
_tile_overlayer_lowered:
.L_overlay_start_2:
0xdd: {  	(tag) =	ssettag $0x2  }
0xde: {  	s0 =	rddreg [dreg:$0x0];
	s2 =	stileid.u32  }
0xdf: {  	s1 =	rddreg [dreg:$0x1];
	p0 =	sne.s32 s2, $0x0  }
0xe0: {  	s3 =	rddreg [dreg:$0x2];
	[bflag:$0x3] =	sbarrier.arrive $0xFFFF;
	s2 =	simm.s32 @!p0 $0x1C01  }
0xe1: {  	[timem:s3], [sflag:s2] =	dma.local @!p0 [hbm:s0], s1  }
0xe2: {  	s0 =	simm.s32 @!p0 $0x1  }
0xe3: {  	_ =	swait.ge @!p0 [sflag:s0], s1  }
0xe4: {  	s1 =	ssub.s32 @!p0 $0x0, s1;
	[sflag:s0] =	ssyncset.done @!p0 $0x0  }
0xe5: {  	[sflag:s0] =	ssyncadd.s32 @!p0 s1  }
0xe6: {  	[bflag:$0x3] =	sbarrier.arrive $0xFFFF  }
0xe7: {  	_ =	shalt  }

</sc_bundles>
